<compile_context>
chip_gen: v7x
topology: tpu7x:2x2x1
jax: 0.10.2.dev20260603
libtpu: 0.0.44.dev20260713+nightly
codegen_flags: <defaults>
</compile_context>

<pallas_src>
import jax
import jax.numpy as jnp
from jax.experimental import pallas as pl
from jax.experimental.pallas import tpu as pltpu
from jax.experimental.pallas import tpu_sc as plsc

_W = 128
_SPLIT = 2

_TC_ROWS = 2048
_SC_BLOCKS = 58


def _sc_gather_prefix(idx_t, table, n_total):
    n = idx_t.shape[0]
    D = table.shape[1]
    Dh = D // _SPLIT
    idx2 = (
        _SPLIT * idx_t.reshape(1, -1)
        + jnp.arange(_SPLIT, dtype=idx_t.dtype).reshape(-1, 1)
    )
    tab = table.reshape(-1, Dh)

    mesh = plsc.VectorSubcoreMesh(
        core_axis_name="core", subcore_axis_name="subcore"
    )

    @pl.kernel(
        out_type=jax.ShapeDtypeStruct((n_total, D), jnp.float32),
        mesh=mesh,
    )
    def run(tab_hbm, idx_hbm, out_hbm):
        def body(i_vmem, o_vmem):
            pltpu.sync_copy(tab_hbm.at[i_vmem.at[0]], o_vmem)

        pltpu.emit_pipeline(
            body,
            grid=(n // _W, _SPLIT),
            in_specs=[pl.BlockSpec((1, _W), index_map=lambda i, j: (j, i))],
            out_specs=[pl.BlockSpec((_W, Dh), index_map=lambda i, j: (i, j))],
            core_axis_name=("core", "subcore"),
            dimension_semantics=(pltpu.PARALLEL, pltpu.PARALLEL),
        )(idx_hbm, out_hbm)

    return run(tab, idx2)


def _onehot(idx_t, v_pad):
    return (
        idx_t.reshape(-1, 1)
        == (jnp.arange(2 * v_pad, dtype=jnp.int32) % v_pad).reshape(1, -1)
    ).astype(jnp.int8)


def _tc_matmul_body(v_pad):
    def body(oh_ref, t_ref, o_ref, hl_ref):
        @pl.when(pl.program_id(0) == 0)
        def _():
            t = t_ref[...]
            hi = t.astype(jnp.bfloat16)
            hl_ref[:v_pad] = hi
            hl_ref[v_pad:] = (t - hi.astype(jnp.float32)).astype(jnp.bfloat16)

        o_ref[...] = jax.lax.dot(
            oh_ref[...].astype(jnp.bfloat16),
            hl_ref[...],
            preferred_element_type=jnp.float32,
        )

    return body


def _tc_lookup(idx_t, table, v_pad):
    N = idx_t.shape[0]
    D = table.shape[1]
    steps = N // _TC_ROWS
    tab_pad = jnp.zeros((v_pad, D), jnp.float32).at[: table.shape[0]].set(table)

    return pl.pallas_call(
        _tc_matmul_body(v_pad),
        grid=(steps,),
        in_specs=[
            pl.BlockSpec((_TC_ROWS, 2 * v_pad), lambda i: (i, 0)),
            pl.BlockSpec((v_pad, D), lambda i: (0, 0)),
        ],
        out_specs=pl.BlockSpec((_TC_ROWS, D), lambda i: (i, 0)),
        out_shape=jax.ShapeDtypeStruct((N, D), jnp.float32),
        scratch_shapes=[pltpu.VMEM((2 * v_pad, D), jnp.bfloat16)],
    )(_onehot(idx_t, v_pad), tab_pad)


def _tc_finish(partial, idx_t_tail, table, v_pad, k0):
    N, D = partial.shape
    steps = N // _TC_ROWS - k0
    tab_pad = jnp.zeros((v_pad, D), jnp.float32).at[: table.shape[0]].set(table)

    def body(p_ref, oh_ref, t_ref, o_ref, hl_ref):
        del p_ref
        _tc_matmul_body(v_pad)(oh_ref, t_ref, o_ref, hl_ref)

    return pl.pallas_call(
        body,
        grid=(steps,),
        in_specs=[
            pl.BlockSpec(memory_space=pl.ANY),
            pl.BlockSpec((_TC_ROWS, 2 * v_pad), lambda i: (i, 0)),
            pl.BlockSpec((v_pad, D), lambda i: (0, 0)),
        ],
        out_specs=pl.BlockSpec((_TC_ROWS, D), lambda i: (i + k0, 0)),
        out_shape=jax.ShapeDtypeStruct((N, D), jnp.float32),
        scratch_shapes=[pltpu.VMEM((2 * v_pad, D), jnp.bfloat16)],
        input_output_aliases={0: 0},
    )(partial, _onehot(idx_t_tail, v_pad), tab_pad)


def kernel(node_idx, edge_idx, node_table, edge_table):
    B, S = node_idx.shape
    D = node_table.shape[1]
    n_idx = node_idx.T.reshape(-1)
    e_idx = edge_idx.T.reshape(-1)

    n_sc = _SC_BLOCKS * _TC_ROWS
    partial = _sc_gather_prefix(n_idx[:n_sc], node_table, n_idx.shape[0])
    node_out = _tc_finish(partial, n_idx[n_sc:], node_table, 256, _SC_BLOCKS)
    edge_out = _tc_lookup(e_idx, edge_table, 128)

    node_out = node_out.reshape(S, B, D).transpose(1, 0, 2)
    edge_out = edge_out.reshape(S, B, D).transpose(1, 0, 2)
    return node_out, edge_out

# --- scband reference (transcript-rebuilt; emitter-appended) ---
"""Pipeline reference for scband-graph-embeddings-20942260536101 (READ-ONLY COPY).

The authoritative reference and input builder live on the scoring server;
editing this copy changes nothing except your own understanding.
"""

import jax, jax.numpy as jnp
import numpy as np

NUM_NODE_LABELS = 169
NUM_EDGE_LABELS = 51
EMBED_DIM = 768
BATCH = 4096
SEQ = 50

def setup_inputs(seed: int = 0) -> dict:
    key = jax.random.key(seed)
    k1, k2, k3, k4 = jax.random.split(key, 4)
    # Learned (pretrained, possibly frozen) embedding tables, per module init
    node_table = jax.random.normal(k1, (NUM_NODE_LABELS, EMBED_DIM), dtype=jnp.float32)
    edge_table = jax.random.normal(k2, (NUM_EDGE_LABELS, EMBED_DIM), dtype=jnp.float32)
    node_idx = jax.random.randint(k3, (BATCH, SEQ), 0, NUM_NODE_LABELS, dtype=jnp.int32)
    edge_idx = jax.random.randint(k4, (BATCH, SEQ), 0, NUM_EDGE_LABELS, dtype=jnp.int32)
    return {"node_idx": node_idx, "edge_idx": edge_idx, "node_table": node_table, "edge_table": edge_table}

def reference(node_idx, edge_idx, node_table, edge_table):
    # forward_node: nn.Embedding lookup into pretrained node table
    node_emb = jnp.take(node_table, node_idx, axis=0)
    # forward_edge: nn.Embedding lookup into pretrained edge table
    edge_emb = jnp.take(edge_table, edge_idx, axis=0)
    return (node_emb, edge_emb)

if __name__ == "__main__":
    import jax
    _d = setup_inputs()
    print(jax.jit(kernel)(*tuple(_d.values())))

</pallas_src>

<mosaic_0001>
#map = affine_map<(d0, d1) -> (0, 0)>
module attributes {stable_mosaic.version = 14 : i64} {
  func.func @run(%arg0: i32, %arg1: i32, %arg2: memref<338x384xf32, #tpu.memory_space<hbm>>, %arg3: memref<2x118784xi32, #tpu.memory_space<hbm>>, %arg4: memref<204800x768xf32, #tpu.memory_space<hbm>>) attributes {dimension_semantics = [#tpu.dimension_semantics<core_parallel>, #tpu.dimension_semantics<subcore_parallel>], iteration_bounds = array<i64: 2, 16>, scalar_prefetch = 0 : i64, scratch_operands = 0 : i64, tpu.core_type = #tpu.core_type<sc_vector_subcore>, window_params = [{transform_indices = #map}, {transform_indices = #map}, {transform_indices = #map}]} {
    %mul3A = arith.constant 1 : i32
    %mul3A_0 = arith.muli %arg1, %mul3A : i32
    %add3A = arith.constant 0 : i32
    %add3A_1 = arith.addi %add3A, %mul3A_0 : i32
    %mul3A_2 = arith.constant 16 : i32
    %mul3A_3 = arith.muli %arg0, %mul3A_2 : i32
    %add3A_4 = arith.addi %add3A_1, %mul3A_3 : i32
    %mul3A_5 = arith.constant 29 : i32
    %mul3A_6 = arith.muli %add3A_4, %mul3A_5 : i32
    "tpu.region"() ({
      %run_scoped3A = memref.alloca() : memref<2x1x128xi32, #tpu.memory_space<vmem>>
      %run_scoped3A_7 = tpu.sem_alloc : memref<2x!tpu.dma_semaphore, #tpu.memory_space<semaphore_mem>>
      %run_scoped3A_8 = memref.alloca() : memref<2x128x384xf32, #tpu.memory_space<vmem>>
      %run_scoped3A_9 = tpu.sem_alloc : memref<2x!tpu.dma_semaphore, #tpu.memory_space<semaphore_mem>>
      %add3A_10 = arith.constant 0 : i32
      %add3A_11 = arith.addi %add3A_10, %mul3A_6 : i32
      %select_n3A = arith.constant true
      %select_n3A_12 = arith.constant 0 : i32
      %select_n3A_13 = arith.constant -1 : i32
      %select_n3A_14 = arith.select %select_n3A, %select_n3A_13, %select_n3A_12 : i32
      %eq3A = arith.constant -1 : i32
      %eq3A_15 = arith.cmpi eq, %select_n3A_14, %eq3A : i32
      %select_n3A_16 = arith.constant 1 : i32
      %select_n3A_17 = arith.select %eq3A_15, %select_n3A_16, %select_n3A_14 : i32
      %select_n3A_18 = arith.constant 0 : i32
      %select_n3A_19 = arith.constant -1 : i32
      %select_n3A_20 = arith.select %eq3A_15, %select_n3A_19, %select_n3A_18 : i32
      %eq3A_21 = arith.constant -1 : i32
      %eq3A_22 = arith.cmpi eq, %select_n3A_20, %eq3A_21 : i32
      %select_n3A_23 = arith.constant 28 : i32
      %select_n3A_24 = arith.select %eq3A_22, %select_n3A_23, %select_n3A_20 : i32
      %add3A_25 = arith.addi %select_n3A_24, %mul3A_6 : i32
      %add3A_26 = arith.constant 0 : i32
      %add3A_27 = arith.addi %select_n3A_17, %add3A_26 : i32
      %select_n3A_28 = arith.constant true
      %select_n3A_29 = arith.constant 0 : i32
      %select_n3A_30 = arith.constant 1 : i32
      %select_n3A_31 = arith.select %select_n3A_28, %select_n3A_30, %select_n3A_29 : i32
      %eq3A_32 = arith.constant 2 : i32
      %eq3A_33 = arith.cmpi eq, %select_n3A_31, %eq3A_32 : i32
      %select_n3A_34 = arith.constant 0 : i32
      %select_n3A_35 = arith.select %eq3A_33, %select_n3A_34, %select_n3A_31 : i32
      %select_n3A_36 = arith.constant 0 : i32
      %select_n3A_37 = arith.constant 1 : i32
      %select_n3A_38 = arith.select %eq3A_33, %select_n3A_37, %select_n3A_36 : i32
      %eq3A_39 = arith.constant 29 : i32
      %eq3A_40 = arith.cmpi eq, %select_n3A_38, %eq3A_39 : i32
      %select_n3A_41 = arith.constant 0 : i32
      %select_n3A_42 = arith.select %eq3A_40, %select_n3A_41, %select_n3A_38 : i32
      %add3A_43 = arith.addi %select_n3A_42, %mul3A_6 : i32
      %add3A_44 = arith.constant 0 : i32
      %add3A_45 = arith.addi %select_n3A_35, %add3A_44 : i32
      %add3A_46 = arith.constant 1 : i32
      %add3A_47 = arith.addi %select_n3A_35, %add3A_46 : i32
      %select_n3A_48 = arith.constant true
      %select_n3A_49 = arith.select %select_n3A_48, %add3A_47, %select_n3A_35 : i32
      %eq3A_50 = arith.constant 2 : i32
      %eq3A_51 = arith.cmpi eq, %select_n3A_49, %eq3A_50 : i32
      %select_n3A_52 = arith.constant 0 : i32
      %select_n3A_53 = arith.select %eq3A_51, %select_n3A_52, %select_n3A_49 : i32
      %add3A_54 = arith.constant 1 : i32
      %add3A_55 = arith.addi %select_n3A_42, %add3A_54 : i32
      %select_n3A_56 = arith.select %eq3A_51, %add3A_55, %select_n3A_42 : i32
      %eq3A_57 = arith.constant 29 : i32
      %eq3A_58 = arith.cmpi eq, %select_n3A_56, %eq3A_57 : i32
      %select_n3A_59 = arith.constant 0 : i32
      %select_n3A_60 = arith.select %eq3A_58, %select_n3A_59, %select_n3A_56 : i32
      %add3A_61 = arith.addi %select_n3A_60, %mul3A_6 : i32
      %add3A_62 = arith.constant 0 : i32
      %add3A_63 = arith.addi %select_n3A_53, %add3A_62 : i32
      "tpu.trace_start"() <{level = 10 : i32, message = "ep_initialize_0"}> : () -> ()
      %rem3A = arith.constant 0 : i32
      %rem3A_64 = arith.constant 2 : i32
      %rem3A_65 = arith.remui %rem3A, %rem3A_64 : i32
      %mul3A_66 = arith.constant 128 : i32
      %mul3A_67 = arith.muli %mul3A_66, %add3A_11 : i32
      %dma_start3A = arith.constant 0 : i32
      %dma_start3A_68 = arith.constant 0 : i32
      %dma_start3A_69 = tpu.memref_slice %run_scoped3A[%rem3A_65, %dma_start3A, %dma_start3A_68] : memref<2x1x128xi32, #tpu.memory_space<vmem>> -> memref<1x1x128xi32, #tpu.memory_space<vmem>>
      %dma_start3A_70 = tpu.memref_squeeze %dma_start3A_69 : memref<1x1x128xi32, #tpu.memory_space<vmem>> -> memref<1x128xi32, #tpu.memory_space<vmem>>
      %dma_start3A_71 = arith.constant 0 : i32
      %dma_start3A_72 = tpu.memref_slice %arg3[%dma_start3A_71, %mul3A_67] : memref<2x118784xi32, #tpu.memory_space<hbm>> -> memref<1x128xi32, #tpu.memory_space<hbm>>
      %dma_start3A_73 = tpu.memref_slice %run_scoped3A_7[%rem3A_65] : memref<2x!tpu.dma_semaphore, #tpu.memory_space<semaphore_mem>> -> memref<1x!tpu.dma_semaphore, #tpu.memory_space<semaphore_mem>>
      %dma_start3A_74 = tpu.memref_squeeze %dma_start3A_73 : memref<1x!tpu.dma_semaphore, #tpu.memory_space<semaphore_mem>> -> memref<!tpu.dma_semaphore, #tpu.memory_space<semaphore_mem>>
      %dma_start3A_75 = arith.constant 0 : i32
      %dma_start3A_76 = arith.constant 0 : i32
      %dma_start3A_77 = tpu.memref_slice %run_scoped3A[%rem3A_65, %dma_start3A_75, %dma_start3A_76] : memref<2x1x128xi32, #tpu.memory_space<vmem>> -> memref<1x1x128xi32, #tpu.memory_space<vmem>>
      %dma_start3A_78 = tpu.memref_squeeze %dma_start3A_77 : memref<1x1x128xi32, #tpu.memory_space<vmem>> -> memref<1x128xi32, #tpu.memory_space<vmem>>
      %dma_start3A_79 = arith.constant 0 : i32
      %dma_start3A_80 = tpu.memref_slice %arg3[%dma_start3A_79, %mul3A_67] : memref<2x118784xi32, #tpu.memory_space<hbm>> -> memref<1x128xi32, #tpu.memory_space<hbm>>
      tpu.enqueue_dma source(%dma_start3A_80 : memref<1x128xi32, #tpu.memory_space<hbm>>) target(%dma_start3A_78 : memref<1x128xi32, #tpu.memory_space<vmem>>) target_semaphore(%dma_start3A_74 : memref<!tpu.dma_semaphore, #tpu.memory_space<semaphore_mem>>)
      %add3A_81 = arith.constant 0 : i32
      %add3A_82 = arith.constant 1 : i32
      %add3A_83 = arith.addi %add3A_81, %add3A_82 : i32
      %select_n3A_84 = arith.constant true
      %select_n3A_85 = arith.constant 0 : i32
      %select_n3A_86 = arith.select %select_n3A_84, %add3A_83, %select_n3A_85 : i32
      "tpu.trace_stop"() : () -> ()
      %scan3A = arith.constant 0 : i32
      %scan3A_87 = arith.constant 0 : i32
      %scan3A_88 = arith.constant 0 : i32
      %scan3A_89 = arith.constant 0 : i32
      %scan3A_90 = arith.constant 0 : i32
      %scan3A_91 = arith.constant 0 : i32
      %scan3A_92 = arith.constant 58 : i32
      %scan3A_93 = arith.addi %scan3A_91, %scan3A_92 : i32
      %scan3A_94 = arith.constant 1 : i32
      %scan3A_95:6 = scf.for %scan3A_185 = %scan3A_91 to %scan3A_93 step %scan3A_94 iter_args(%scan3A_186 = %select_n3A_86, %scan3A_187 = %scan3A, %scan3A_188 = %scan3A_87, %scan3A_189 = %scan3A_88, %scan3A_190 = %scan3A_89, %scan3A_191 = %scan3A_90) -> (i32, i32, i32, i32, i32, i32)  : i32 {
        %eq3A_192 = arith.constant 0 : i32
        %eq3A_193 = arith.cmpi eq, %scan3A_185, %eq3A_192 : i32
        %eq3A_194 = arith.constant 57 : i32
        %eq3A_195 = arith.cmpi eq, %scan3A_185, %eq3A_194 : i32
        %add3A_196 = arith.addi %scan3A_190, %mul3A_6 : i32
        %add3A_197 = arith.constant 0 : i32
        %add3A_198 = arith.addi %scan3A_191, %add3A_197 : i32
        %sub3A_199 = arith.constant 1 : i32
        %sub3A_200 = arith.subi %scan3A_191, %sub3A_199 : i32
        %select_n3A_201 = arith.constant true
        %select_n3A_202 = arith.select %select_n3A_201, %sub3A_200, %scan3A_191 : i32
        %eq3A_203 = arith.constant -1 : i32
        %eq3A_204 = arith.cmpi eq, %select_n3A_202, %eq3A_203 : i32
        %select_n3A_205 = arith.constant 1 : i32
        %select_n3A_206 = arith.select %eq3A_204, %select_n3A_205, %select_n3A_202 : i32
        %sub3A_207 = arith.constant 1 : i32
        %sub3A_208 = arith.subi %scan3A_190, %sub3A_207 : i32
        %select_n3A_209 = arith.select %eq3A_204, %sub3A_208, %scan3A_190 : i32
        %eq3A_210 = arith.constant -1 : i32
        %eq3A_211 = arith.cmpi eq, %select_n3A_209, %eq3A_210 : i32
        %select_n3A_212 = arith.constant 28 : i32
        %select_n3A_213 = arith.select %eq3A_211, %select_n3A_212, %select_n3A_209 : i32
        %add3A_214 = arith.addi %select_n3A_213, %mul3A_6 : i32
        %add3A_215 = arith.constant 0 : i32
        %add3A_216 = arith.addi %select_n3A_206, %add3A_215 : i32
        %add3A_217 = arith.constant 1 : i32
        %add3A_218 = arith.addi %scan3A_191, %add3A_217 : i32
        %select_n3A_219 = arith.constant true
        %select_n3A_220 = arith.select %select_n3A_219, %add3A_218, %scan3A_191 : i32
        %eq3A_221 = arith.constant 2 : i32
        %eq3A_222 = arith.cmpi eq, %select_n3A_220, %eq3A_221 : i32
        %select_n3A_223 = arith.constant 0 : i32
        %select_n3A_224 = arith.select %eq3A_222, %select_n3A_223, %select_n3A_220 : i32
        %add3A_225 = arith.constant 1 : i32
        %add3A_226 = arith.addi %scan3A_190, %add3A_225 : i32
        %select_n3A_227 = arith.select %eq3A_222, %add3A_226, %scan3A_190 : i32
        %eq3A_228 = arith.constant 29 : i32
        %eq3A_229 = arith.cmpi eq, %select_n3A_227, %eq3A_228 : i32
        %select_n3A_230 = arith.constant 0 : i32
        %select_n3A_231 = arith.select %eq3A_229, %select_n3A_230, %select_n3A_227 : i32
        %add3A_232 = arith.addi %select_n3A_231, %mul3A_6 : i32
        %add3A_233 = arith.constant 0 : i32
        %add3A_234 = arith.addi %select_n3A_224, %add3A_233 : i32
        %add3A_235 = arith.constant 1 : i32
        %add3A_236 = arith.addi %select_n3A_224, %add3A_235 : i32
        %select_n3A_237 = arith.constant true
        %select_n3A_238 = arith.select %select_n3A_237, %add3A_236, %select_n3A_224 : i32
        %eq3A_239 = arith.constant 2 : i32
        %eq3A_240 = arith.cmpi eq, %select_n3A_238, %eq3A_239 : i32
        %select_n3A_241 = arith.constant 0 : i32
        %select_n3A_242 = arith.select %eq3A_240, %select_n3A_241, %select_n3A_238 : i32
        %add3A_243 = arith.constant 1 : i32
        %add3A_244 = arith.addi %select_n3A_231, %add3A_243 : i32
        %select_n3A_245 = arith.select %eq3A_240, %add3A_244, %select_n3A_231 : i32
        %eq3A_246 = arith.constant 29 : i32
        %eq3A_247 = arith.cmpi eq, %select_n3A_245, %eq3A_246 : i32
        %select_n3A_248 = arith.constant 0 : i32
        %select_n3A_249 = arith.select %eq3A_247, %select_n3A_248, %select_n3A_245 : i32
        %add3A_250 = arith.addi %select_n3A_249, %mul3A_6 : i32
        %add3A_251 = arith.constant 0 : i32
        %add3A_252 = arith.addi %select_n3A_242, %add3A_251 : i32
        %ne3A = arith.cmpi ne, %add3A_198, %add3A_234 : i32
        %ne3A_253 = arith.cmpi ne, %add3A_196, %add3A_232 : i32
        %or3A = arith.constant false
        %or3A_254 = arith.ori %or3A, %ne3A : i1
        %or3A_255 = arith.ori %or3A_254, %ne3A_253 : i1
        %ge3A = arith.constant 57 : i32
        %ge3A_256 = arith.cmpi sge, %scan3A_185, %ge3A : i32
        %not3A = arith.constant true
        %not3A_257 = arith.xori %ge3A_256, %not3A : i1
        %and3A = arith.andi %or3A_255, %not3A_257 : i1
        %convert_element_type3A = arith.extui %and3A : i1 to i32
        %cond3A = arith.constant 0 : i32
        %cond3A_258 = arith.cmpi ne, %convert_element_type3A, %cond3A : i32
        scf.if %cond3A_258 {
          "tpu.trace_start"() <{level = 10 : i32, message = "ep_copy_in"}> : () -> ()
          %rem3A_375 = arith.constant 2 : i32
          %rem3A_376 = arith.remui %scan3A_186, %rem3A_375 : i32
          %mul3A_377 = arith.constant 1 : i32
          %mul3A_378 = arith.muli %mul3A_377, %add3A_234 : i32
          %mul3A_379 = arith.constant 128 : i32
          %mul3A_380 = arith.muli %mul3A_379, %add3A_232 : i32
          %dma_start3A_381 = arith.constant 0 : i32
          %dma_start3A_382 = arith.constant 0 : i32
          %dma_start3A_383 = tpu.memref_slice %run_scoped3A[%rem3A_376, %dma_start3A_381, %dma_start3A_382] : memref<2x1x128xi32, #tpu.memory_space<vmem>> -> memref<1x1x128xi32, #tpu.memory_space<vmem>>
          %dma_start3A_384 = tpu.memref_squeeze %dma_start3A_383 : memref<1x1x128xi32, #tpu.memory_space<vmem>> -> memref<1x128xi32, #tpu.memory_space<vmem>>
          %dma_start3A_385 = tpu.memref_slice %arg3[%mul3A_378, %mul3A_380] : memref<2x118784xi32, #tpu.memory_space<hbm>> -> memref<1x128xi32, #tpu.memory_space<hbm>>
          %dma_start3A_386 = tpu.memref_slice %run_scoped3A_7[%rem3A_376] : memref<2x!tpu.dma_semaphore, #tpu.memory_space<semaphore_mem>> -> memref<1x!tpu.dma_semaphore, #tpu.memory_space<semaphore_mem>>
          %dma_start3A_387 = tpu.memref_squeeze %dma_start3A_386 : memref<1x!tpu.dma_semaphore, #tpu.memory_space<semaphore_mem>> -> memref<!tpu.dma_semaphore, #tpu.memory_space<semaphore_mem>>
          %dma_start3A_388 = arith.constant 0 : i32
          %dma_start3A_389 = arith.constant 0 : i32
          %dma_start3A_390 = tpu.memref_slice %run_scoped3A[%rem3A_376, %dma_start3A_388, %dma_start3A_389] : memref<2x1x128xi32, #tpu.memory_space<vmem>> -> memref<1x1x128xi32, #tpu.memory_space<vmem>>
          %dma_start3A_391 = tpu.memref_squeeze %dma_start3A_390 : memref<1x1x128xi32, #tpu.memory_space<vmem>> -> memref<1x128xi32, #tpu.memory_space<vmem>>
          %dma_start3A_392 = tpu.memref_slice %arg3[%mul3A_378, %mul3A_380] : memref<2x118784xi32, #tpu.memory_space<hbm>> -> memref<1x128xi32, #tpu.memory_space<hbm>>
          tpu.enqueue_dma source(%dma_start3A_392 : memref<1x128xi32, #tpu.memory_space<hbm>>) target(%dma_start3A_391 : memref<1x128xi32, #tpu.memory_space<vmem>>) target_semaphore(%dma_start3A_387 : memref<!tpu.dma_semaphore, #tpu.memory_space<semaphore_mem>>)
          "tpu.trace_stop"() : () -> ()
        } else {
        }
        %and3A_259 = arith.constant true
        %and3A_260 = arith.andi %and3A, %and3A_259 : i1
        %add3A_261 = arith.constant 1 : i32
        %add3A_262 = arith.addi %scan3A_186, %add3A_261 : i32
        %select_n3A_263 = arith.select %and3A_260, %add3A_262, %scan3A_186 : i32
        %ne3A_264 = arith.cmpi ne, %add3A_196, %add3A_232 : i32
        %ne3A_265 = arith.cmpi ne, %add3A_198, %add3A_234 : i32
        %or3A_266 = arith.constant false
        %or3A_267 = arith.ori %or3A_266, %ne3A_264 : i1
        %or3A_268 = arith.ori %or3A_267, %ne3A_265 : i1
        %ge3A_269 = arith.constant 57 : i32
        %ge3A_270 = arith.cmpi sge, %scan3A_185, %ge3A_269 : i32
        %not3A_271 = arith.constant true
        %not3A_272 = arith.xori %ge3A_270, %not3A_271 : i1
        %and3A_273 = arith.andi %or3A_268, %not3A_272 : i1
        %ne3A_274 = arith.cmpi ne, %add3A_198, %add3A_216 : i32
        %ne3A_275 = arith.cmpi ne, %add3A_196, %add3A_214 : i32
        %or3A_276 = arith.constant false
        %or3A_277 = arith.ori %or3A_276, %ne3A_274 : i1
        %or3A_278 = arith.ori %or3A_277, %ne3A_275 : i1
        %or3A_279 = arith.ori %or3A_278, %eq3A_193 : i1
        %convert_element_type3A_280 = arith.extui %or3A_279 : i1 to i32
        %cond3A_281 = arith.constant 0 : i32
        %cond3A_282 = arith.cmpi ne, %convert_element_type3A_280, %cond3A_281 : i32
        scf.if %cond3A_282 {
          "tpu.trace_start"() <{level = 10 : i32, message = "ep_wait_in"}> : () -> ()
          %mul3A_375 = arith.constant 1 : i32
          %mul3A_376 = arith.muli %mul3A_375, %add3A_198 : i32
          %mul3A_377 = arith.constant 128 : i32
          %mul3A_378 = arith.muli %mul3A_377, %add3A_196 : i32
          %rem3A_379 = arith.constant 2 : i32
          %rem3A_380 = arith.remui %scan3A_187, %rem3A_379 : i32
          %dma_wait3A_381 = arith.constant 0 : i32
          %dma_wait3A_382 = arith.constant 0 : i32
          %dma_wait3A_383 = tpu.memref_slice %run_scoped3A[%rem3A_380, %dma_wait3A_381, %dma_wait3A_382] : memref<2x1x128xi32, #tpu.memory_space<vmem>> -> memref<1x1x128xi32, #tpu.memory_space<vmem>>
          %dma_wait3A_384 = tpu.memref_squeeze %dma_wait3A_383 : memref<1x1x128xi32, #tpu.memory_space<vmem>> -> memref<1x128xi32, #tpu.memory_space<vmem>>
          %dma_wait3A_385 = tpu.memref_slice %arg3[%mul3A_376, %mul3A_378] : memref<2x118784xi32, #tpu.memory_space<hbm>> -> memref<1x128xi32, #tpu.memory_space<hbm>>
          %dma_wait3A_386 = tpu.memref_slice %run_scoped3A_7[%rem3A_380] : memref<2x!tpu.dma_semaphore, #tpu.memory_space<semaphore_mem>> -> memref<1x!tpu.dma_semaphore, #tpu.memory_space<semaphore_mem>>
          %dma_wait3A_387 = tpu.memref_squeeze %dma_wait3A_386 : memref<1x!tpu.dma_semaphore, #tpu.memory_space<semaphore_mem>> -> memref<!tpu.dma_semaphore, #tpu.memory_space<semaphore_mem>>
          %dma_wait3A_388 = arith.constant 0 : i32
          %dma_wait3A_389 = arith.constant 0 : i32
          %dma_wait3A_390 = tpu.memref_slice %run_scoped3A[%rem3A_380, %dma_wait3A_388, %dma_wait3A_389] : memref<2x1x128xi32, #tpu.memory_space<vmem>> -> memref<1x1x128xi32, #tpu.memory_space<vmem>>
          %dma_wait3A_391 = tpu.memref_squeeze %dma_wait3A_390 : memref<1x1x128xi32, #tpu.memory_space<vmem>> -> memref<1x128xi32, #tpu.memory_space<vmem>>
          %dma_wait3A_392 = tpu.memref_slice %arg3[%mul3A_376, %mul3A_378] : memref<2x118784xi32, #tpu.memory_space<hbm>> -> memref<1x128xi32, #tpu.memory_space<hbm>>
          tpu.wait_dma2 semaphore(%dma_wait3A_387 : memref<!tpu.dma_semaphore, #tpu.memory_space<semaphore_mem>>) src(%dma_wait3A_392 : memref<1x128xi32, #tpu.memory_space<hbm>>) dst(%dma_wait3A_391 : memref<1x128xi32, #tpu.memory_space<vmem>>)
          "tpu.trace_stop"() : () -> ()
        } else {
        }
        %ne3A_283 = arith.cmpi ne, %add3A_196, %add3A_214 : i32
        %ne3A_284 = arith.cmpi ne, %add3A_198, %add3A_216 : i32
        %or3A_285 = arith.constant false
        %or3A_286 = arith.ori %or3A_285, %ne3A_283 : i1
        %or3A_287 = arith.ori %or3A_286, %ne3A_284 : i1
        %or3A_288 = arith.ori %or3A_287, %eq3A_193 : i1
        %convert_element_type3A_289 = arith.extui %or3A_288 : i1 to i32
        %cond3A_290 = arith.constant 0 : i32
        %cond3A_291 = arith.cmpi ne, %convert_element_type3A_289, %cond3A_290 : i32
        scf.if %cond3A_291 {
        } else {
        }
        %rem3A_292 = arith.constant 2 : i32
        %rem3A_293 = arith.remui %scan3A_187, %rem3A_292 : i32
        %rem3A_294 = arith.constant 2 : i32
        %rem3A_295 = arith.remui %scan3A_188, %rem3A_294 : i32
        %run_scoped3A_296 = arith.constant 0 : i32
        "tpu.trace_start"() <{level = 10 : i32, message = "ep_run_kernel"}> : () -> ()
        "tpu.region"() ({
          %run_scoped3A_375 = tpu.sem_alloc : memref<!tpu.dma_semaphore, #tpu.memory_space<semaphore_mem>>
          %dma_start3A_376 = arith.constant 0 : i32
          %dma_start3A_377 = arith.constant 0 : i32
          %dma_start3A_378 = tpu.memref_slice %run_scoped3A_8[%rem3A_295, %dma_start3A_376, %dma_start3A_377] : memref<2x128x384xf32, #tpu.memory_space<vmem>> -> memref<1x128x384xf32, #tpu.memory_space<vmem>>
          %dma_start3A_379 = tpu.memref_squeeze %dma_start3A_378 : memref<1x128x384xf32, #tpu.memory_space<vmem>> -> memref<128x384xf32, #tpu.memory_space<vmem>>
          %dma_start3A_380 = arith.constant 0 : i32
          %dma_start3A_381 = arith.constant 0 : i32
          %dma_start3A_382 = tpu.memref_slice %run_scoped3A[%rem3A_293, %dma_start3A_380, %dma_start3A_381] : memref<2x1x128xi32, #tpu.memory_space<vmem>> -> memref<1x1x128xi32, #tpu.memory_space<vmem>>
          %dma_start3A_383 = tpu.memref_squeeze %dma_start3A_382 : memref<1x1x128xi32, #tpu.memory_space<vmem>> -> memref<1x128xi32, #tpu.memory_space<vmem>>
          %dma_start3A_384 = arith.constant 0 : i32
          %dma_start3A_385 = tpu.memref_slice %dma_start3A_383[%run_scoped3A_296, %dma_start3A_384] : memref<1x128xi32, #tpu.memory_space<vmem>> -> memref<1x128xi32, #tpu.memory_space<vmem>>
          %dma_start3A_386 = tpu.memref_squeeze %dma_start3A_385 : memref<1x128xi32, #tpu.memory_space<vmem>> -> memref<128xi32, #tpu.memory_space<vmem>>
          %dma_start3A_387 = arith.constant 0 : i32
          %dma_start3A_388 = arith.constant 0 : i32
          %dma_start3A_389 = tpu.memref_slice %arg2[%dma_start3A_387, %dma_start3A_388] : memref<338x384xf32, #tpu.memory_space<hbm>> -> memref<338x384xf32, #tpu.memory_space<hbm>>
          tpu.enqueue_indirect_dma source(%dma_start3A_389 : memref<338x384xf32, #tpu.memory_space<hbm>>) target(%dma_start3A_379 : memref<128x384xf32, #tpu.memory_space<vmem>>) offsets(%dma_start3A_386 : memref<128xi32, #tpu.memory_space<vmem>>) semaphore(%run_scoped3A_375 : memref<!tpu.dma_semaphore, #tpu.memory_space<semaphore_mem>>)
          %dma_wait3A_390 = arith.constant 0 : i32
          %dma_wait3A_391 = arith.constant 0 : i32
          %dma_wait3A_392 = tpu.memref_slice %run_scoped3A_8[%rem3A_295, %dma_wait3A_390, %dma_wait3A_391] : memref<2x128x384xf32, #tpu.memory_space<vmem>> -> memref<1x128x384xf32, #tpu.memory_space<vmem>>
          %dma_wait3A_393 = tpu.memref_squeeze %dma_wait3A_392 : memref<1x128x384xf32, #tpu.memory_space<vmem>> -> memref<128x384xf32, #tpu.memory_space<vmem>>
          %dma_wait3A_394 = arith.constant 0 : i32
          %dma_wait3A_395 = arith.constant 0 : i32
          %dma_wait3A_396 = tpu.memref_slice %run_scoped3A[%rem3A_293, %dma_wait3A_394, %dma_wait3A_395] : memref<2x1x128xi32, #tpu.memory_space<vmem>> -> memref<1x1x128xi32, #tpu.memory_space<vmem>>
          %dma_wait3A_397 = tpu.memref_squeeze %dma_wait3A_396 : memref<1x1x128xi32, #tpu.memory_space<vmem>> -> memref<1x128xi32, #tpu.memory_space<vmem>>
          %dma_wait3A_398 = arith.constant 0 : i32
          %dma_wait3A_399 = tpu.memref_slice %dma_wait3A_397[%run_scoped3A_296, %dma_wait3A_398] : memref<1x128xi32, #tpu.memory_space<vmem>> -> memref<1x128xi32, #tpu.memory_space<vmem>>
          %dma_wait3A_400 = tpu.memref_squeeze %dma_wait3A_399 : memref<1x128xi32, #tpu.memory_space<vmem>> -> memref<128xi32, #tpu.memory_space<vmem>>
          %dma_wait3A_401 = arith.constant 0 : i32
          %dma_wait3A_402 = arith.constant 0 : i32
          %dma_wait3A_403 = tpu.memref_slice %arg2[%dma_wait3A_401, %dma_wait3A_402] : memref<338x384xf32, #tpu.memory_space<hbm>> -> memref<338x384xf32, #tpu.memory_space<hbm>>
          tpu.wait_indirect_dma semaphore(%run_scoped3A_375 : memref<!tpu.dma_semaphore, #tpu.memory_space<semaphore_mem>>) src(%dma_wait3A_403 : memref<338x384xf32, #tpu.memory_space<hbm>>) dst(%dma_wait3A_393 : memref<128x384xf32, #tpu.memory_space<vmem>>)
          tpu.yield
        }) : () -> ()
        "tpu.trace_stop"() : () -> ()
        %ne3A_297 = arith.cmpi ne, %add3A_198, %add3A_234 : i32
        %ne3A_298 = arith.cmpi ne, %add3A_196, %add3A_232 : i32
        %or3A_299 = arith.constant false
        %or3A_300 = arith.ori %or3A_299, %ne3A_297 : i1
        %or3A_301 = arith.ori %or3A_300, %ne3A_298 : i1
        %or3A_302 = arith.ori %or3A_301, %eq3A_195 : i1
        %convert_element_type3A_303 = arith.extui %or3A_302 : i1 to i32
        %cond3A_304 = arith.constant 0 : i32
        %cond3A_305 = arith.cmpi ne, %convert_element_type3A_303, %cond3A_304 : i32
        scf.if %cond3A_305 {
        } else {
        }
        %and3A_306 = arith.constant false
        %and3A_307 = arith.andi %or3A_302, %and3A_306 : i1
        %ne3A_308 = arith.cmpi ne, %add3A_196, %add3A_232 : i32
        %ne3A_309 = arith.cmpi ne, %add3A_198, %add3A_234 : i32
        %or3A_310 = arith.constant false
        %or3A_311 = arith.ori %or3A_310, %ne3A_308 : i1
        %or3A_312 = arith.ori %or3A_311, %ne3A_309 : i1
        %or3A_313 = arith.ori %or3A_312, %eq3A_195 : i1
        %convert_element_type3A_314 = arith.extui %or3A_313 : i1 to i32
        %cond3A_315 = arith.constant 0 : i32
        %cond3A_316 = arith.cmpi ne, %convert_element_type3A_314, %cond3A_315 : i32
        scf.if %cond3A_316 {
          "tpu.trace_start"() <{level = 10 : i32, message = "ep_copy_out"}> : () -> ()
          %rem3A_375 = arith.constant 2 : i32
          %rem3A_376 = arith.remui %scan3A_188, %rem3A_375 : i32
          %mul3A_377 = arith.constant 128 : i32
          %mul3A_378 = arith.muli %mul3A_377, %add3A_196 : i32
          %mul3A_379 = arith.constant 384 : i32
          %mul3A_380 = arith.muli %mul3A_379, %add3A_198 : i32
          %dma_start3A_381 = arith.constant 0 : i32
          %dma_start3A_382 = arith.constant 0 : i32
          %dma_start3A_383 = tpu.memref_slice %run_scoped3A_8[%rem3A_376, %dma_start3A_381, %dma_start3A_382] : memref<2x128x384xf32, #tpu.memory_space<vmem>> -> memref<1x128x384xf32, #tpu.memory_space<vmem>>
          %dma_start3A_384 = tpu.memref_squeeze %dma_start3A_383 : memref<1x128x384xf32, #tpu.memory_space<vmem>> -> memref<128x384xf32, #tpu.memory_space<vmem>>
          %dma_start3A_385 = tpu.memref_slice %arg4[%mul3A_378, %mul3A_380] : memref<204800x768xf32, #tpu.memory_space<hbm>> -> memref<128x384xf32, #tpu.memory_space<hbm>>
          %dma_start3A_386 = tpu.memref_slice %run_scoped3A_9[%rem3A_376] : memref<2x!tpu.dma_semaphore, #tpu.memory_space<semaphore_mem>> -> memref<1x!tpu.dma_semaphore, #tpu.memory_space<semaphore_mem>>
          %dma_start3A_387 = tpu.memref_squeeze %dma_start3A_386 : memref<1x!tpu.dma_semaphore, #tpu.memory_space<semaphore_mem>> -> memref<!tpu.dma_semaphore, #tpu.memory_space<semaphore_mem>>
          %dma_start3A_388 = tpu.memref_slice %arg4[%mul3A_378, %mul3A_380] : memref<204800x768xf32, #tpu.memory_space<hbm>> -> memref<128x384xf32, #tpu.memory_space<hbm>>
          %dma_start3A_389 = arith.constant 0 : i32
          %dma_start3A_390 = arith.constant 0 : i32
          %dma_start3A_391 = tpu.memref_slice %run_scoped3A_8[%rem3A_376, %dma_start3A_389, %dma_start3A_390] : memref<2x128x384xf32, #tpu.memory_space<vmem>> -> memref<1x128x384xf32, #tpu.memory_space<vmem>>
          %dma_start3A_392 = tpu.memref_squeeze %dma_start3A_391 : memref<1x128x384xf32, #tpu.memory_space<vmem>> -> memref<128x384xf32, #tpu.memory_space<vmem>>
          tpu.enqueue_dma source(%dma_start3A_392 : memref<128x384xf32, #tpu.memory_space<vmem>>) target(%dma_start3A_388 : memref<128x384xf32, #tpu.memory_space<hbm>>) target_semaphore(%dma_start3A_387 : memref<!tpu.dma_semaphore, #tpu.memory_space<semaphore_mem>>)
          "tpu.trace_stop"() : () -> ()
        } else {
        }
        %and3A_317 = arith.constant true
        %and3A_318 = arith.andi %or3A_313, %and3A_317 : i1
        %add3A_319 = arith.constant 1 : i32
        %add3A_320 = arith.addi %scan3A_188, %add3A_319 : i32
        %select_n3A_321 = arith.select %and3A_318, %add3A_320, %scan3A_188 : i32
        %ne3A_322 = arith.cmpi ne, %add3A_198, %add3A_216 : i32
        %ne3A_323 = arith.cmpi ne, %add3A_196, %add3A_214 : i32
        %or3A_324 = arith.constant false
        %or3A_325 = arith.ori %or3A_324, %ne3A_322 : i1
        %or3A_326 = arith.ori %or3A_325, %ne3A_323 : i1
        %not3A_327 = arith.constant true
        %not3A_328 = arith.xori %eq3A_193, %not3A_327 : i1
        %and3A_329 = arith.andi %or3A_326, %not3A_328 : i1
        %convert_element_type3A_330 = arith.extui %and3A_329 : i1 to i32
        %cond3A_331 = arith.constant 0 : i32
        %cond3A_332 = arith.cmpi ne, %convert_element_type3A_330, %cond3A_331 : i32
        scf.if %cond3A_332 {
        } else {
        }
        %and3A_333 = arith.constant false
        %and3A_334 = arith.andi %and3A_329, %and3A_333 : i1
        %ne3A_335 = arith.cmpi ne, %add3A_196, %add3A_214 : i32
        %ne3A_336 = arith.cmpi ne, %add3A_198, %add3A_216 : i32
        %or3A_337 = arith.constant false
        %or3A_338 = arith.ori %or3A_337, %ne3A_335 : i1
        %or3A_339 = arith.ori %or3A_338, %ne3A_336 : i1
        %not3A_340 = arith.constant true
        %not3A_341 = arith.xori %eq3A_193, %not3A_340 : i1
        %and3A_342 = arith.andi %or3A_339, %not3A_341 : i1
        %convert_element_type3A_343 = arith.extui %and3A_342 : i1 to i32
        %cond3A_344 = arith.constant 0 : i32
        %cond3A_345 = arith.cmpi ne, %convert_element_type3A_343, %cond3A_344 : i32
        scf.if %cond3A_345 {
          "tpu.trace_start"() <{level = 10 : i32, message = "ep_wait_out"}> : () -> ()
          %rem3A_375 = arith.constant 2 : i32
          %rem3A_376 = arith.remui %scan3A_189, %rem3A_375 : i32
          %mul3A_377 = arith.constant 128 : i32
          %mul3A_378 = arith.muli %mul3A_377, %add3A_214 : i32
          %mul3A_379 = arith.constant 384 : i32
          %mul3A_380 = arith.muli %mul3A_379, %add3A_216 : i32
          %dma_wait3A_381 = arith.constant 0 : i32
          %dma_wait3A_382 = arith.constant 0 : i32
          %dma_wait3A_383 = tpu.memref_slice %run_scoped3A_8[%rem3A_376, %dma_wait3A_381, %dma_wait3A_382] : memref<2x128x384xf32, #tpu.memory_space<vmem>> -> memref<1x128x384xf32, #tpu.memory_space<vmem>>
          %dma_wait3A_384 = tpu.memref_squeeze %dma_wait3A_383 : memref<1x128x384xf32, #tpu.memory_space<vmem>> -> memref<128x384xf32, #tpu.memory_space<vmem>>
          %dma_wait3A_385 = tpu.memref_slice %arg4[%mul3A_378, %mul3A_380] : memref<204800x768xf32, #tpu.memory_space<hbm>> -> memref<128x384xf32, #tpu.memory_space<hbm>>
          %dma_wait3A_386 = tpu.memref_slice %run_scoped3A_9[%rem3A_376] : memref<2x!tpu.dma_semaphore, #tpu.memory_space<semaphore_mem>> -> memref<1x!tpu.dma_semaphore, #tpu.memory_space<semaphore_mem>>
          %dma_wait3A_387 = tpu.memref_squeeze %dma_wait3A_386 : memref<1x!tpu.dma_semaphore, #tpu.memory_space<semaphore_mem>> -> memref<!tpu.dma_semaphore, #tpu.memory_space<semaphore_mem>>
          %dma_wait3A_388 = tpu.memref_slice %arg4[%mul3A_378, %mul3A_380] : memref<204800x768xf32, #tpu.memory_space<hbm>> -> memref<128x384xf32, #tpu.memory_space<hbm>>
          %dma_wait3A_389 = arith.constant 0 : i32
          %dma_wait3A_390 = arith.constant 0 : i32
          %dma_wait3A_391 = tpu.memref_slice %run_scoped3A_8[%rem3A_376, %dma_wait3A_389, %dma_wait3A_390] : memref<2x128x384xf32, #tpu.memory_space<vmem>> -> memref<1x128x384xf32, #tpu.memory_space<vmem>>
          %dma_wait3A_392 = tpu.memref_squeeze %dma_wait3A_391 : memref<1x128x384xf32, #tpu.memory_space<vmem>> -> memref<128x384xf32, #tpu.memory_space<vmem>>
          tpu.wait_dma2 semaphore(%dma_wait3A_387 : memref<!tpu.dma_semaphore, #tpu.memory_space<semaphore_mem>>) src(%dma_wait3A_392 : memref<128x384xf32, #tpu.memory_space<vmem>>) dst(%dma_wait3A_388 : memref<128x384xf32, #tpu.memory_space<hbm>>)
          "tpu.trace_stop"() : () -> ()
        } else {
        }
        %and3A_346 = arith.constant true
        %and3A_347 = arith.andi %and3A_342, %and3A_346 : i1
        %add3A_348 = arith.constant 1 : i32
        %add3A_349 = arith.addi %scan3A_189, %add3A_348 : i32
        %select_n3A_350 = arith.select %and3A_347, %add3A_349, %scan3A_189 : i32
        %ne3A_351 = arith.cmpi ne, %add3A_198, %add3A_234 : i32
        %ne3A_352 = arith.cmpi ne, %add3A_196, %add3A_232 : i32
        %or3A_353 = arith.constant false
        %or3A_354 = arith.ori %or3A_353, %ne3A_351 : i1
        %or3A_355 = arith.ori %or3A_354, %ne3A_352 : i1
        %or3A_356 = arith.ori %or3A_355, %eq3A_195 : i1
        %add3A_357 = arith.constant 1 : i32
        %add3A_358 = arith.addi %scan3A_187, %add3A_357 : i32
        %select_n3A_359 = arith.select %or3A_356, %add3A_358, %scan3A_187 : i32
        %add3A_360 = arith.constant 1 : i32
        %add3A_361 = arith.addi %scan3A_191, %add3A_360 : i32
        %select_n3A_362 = arith.constant true
        %select_n3A_363 = arith.select %select_n3A_362, %add3A_361, %scan3A_191 : i32
        %eq3A_364 = arith.constant 2 : i32
        %eq3A_365 = arith.cmpi eq, %select_n3A_363, %eq3A_364 : i32
        %select_n3A_366 = arith.constant 0 : i32
        %select_n3A_367 = arith.select %eq3A_365, %select_n3A_366, %select_n3A_363 : i32
        %add3A_368 = arith.constant 1 : i32
        %add3A_369 = arith.addi %scan3A_190, %add3A_368 : i32
        %select_n3A_370 = arith.select %eq3A_365, %add3A_369, %scan3A_190 : i32
        %eq3A_371 = arith.constant 29 : i32
        %eq3A_372 = arith.cmpi eq, %select_n3A_370, %eq3A_371 : i32
        %select_n3A_373 = arith.constant 0 : i32
        %select_n3A_374 = arith.select %eq3A_372, %select_n3A_373, %select_n3A_370 : i32
        scf.yield %select_n3A_263, %select_n3A_359, %select_n3A_321, %select_n3A_350, %select_n3A_374, %select_n3A_367 : i32, i32, i32, i32, i32, i32
      }
      %scan3A_96 = arith.constant 58 : i32
      %sub3A = arith.constant 1 : i32
      %sub3A_97 = arith.subi %scan3A_95#5, %sub3A : i32
      %select_n3A_98 = arith.constant true
      %select_n3A_99 = arith.select %select_n3A_98, %sub3A_97, %scan3A_95#5 : i32
      %eq3A_100 = arith.constant -1 : i32
      %eq3A_101 = arith.cmpi eq, %select_n3A_99, %eq3A_100 : i32
      %select_n3A_102 = arith.constant 1 : i32
      %select_n3A_103 = arith.select %eq3A_101, %select_n3A_102, %select_n3A_99 : i32
      %sub3A_104 = arith.constant 1 : i32
      %sub3A_105 = arith.subi %scan3A_95#4, %sub3A_104 : i32
      %select_n3A_106 = arith.select %eq3A_101, %sub3A_105, %scan3A_95#4 : i32
      %eq3A_107 = arith.constant -1 : i32
      %eq3A_108 = arith.cmpi eq, %select_n3A_106, %eq3A_107 : i32
      %select_n3A_109 = arith.constant 28 : i32
      %select_n3A_110 = arith.select %eq3A_108, %select_n3A_109, %select_n3A_106 : i32
      %add3A_111 = arith.addi %select_n3A_110, %mul3A_6 : i32
      %add3A_112 = arith.constant 0 : i32
      %add3A_113 = arith.addi %select_n3A_103, %add3A_112 : i32
      %sub3A_114 = arith.constant 1 : i32
      %sub3A_115 = arith.subi %select_n3A_103, %sub3A_114 : i32
      %select_n3A_116 = arith.constant true
      %select_n3A_117 = arith.select %select_n3A_116, %sub3A_115, %select_n3A_103 : i32
      %eq3A_118 = arith.constant -1 : i32
      %eq3A_119 = arith.cmpi eq, %select_n3A_117, %eq3A_118 : i32
      %select_n3A_120 = arith.constant 1 : i32
      %select_n3A_121 = arith.select %eq3A_119, %select_n3A_120, %select_n3A_117 : i32
      %sub3A_122 = arith.constant 1 : i32
      %sub3A_123 = arith.subi %select_n3A_110, %sub3A_122 : i32
      %select_n3A_124 = arith.select %eq3A_119, %sub3A_123, %select_n3A_110 : i32
      %eq3A_125 = arith.constant -1 : i32
      %eq3A_126 = arith.cmpi eq, %select_n3A_124, %eq3A_125 : i32
      %select_n3A_127 = arith.constant 28 : i32
      %select_n3A_128 = arith.select %eq3A_126, %select_n3A_127, %select_n3A_124 : i32
      %add3A_129 = arith.addi %select_n3A_128, %mul3A_6 : i32
      %add3A_130 = arith.constant 0 : i32
      %add3A_131 = arith.addi %select_n3A_121, %add3A_130 : i32
      %add3A_132 = arith.constant 1 : i32
      %add3A_133 = arith.addi %select_n3A_103, %add3A_132 : i32
      %select_n3A_134 = arith.constant true
      %select_n3A_135 = arith.select %select_n3A_134, %add3A_133, %select_n3A_103 : i32
      %eq3A_136 = arith.constant 2 : i32
      %eq3A_137 = arith.cmpi eq, %select_n3A_135, %eq3A_136 : i32
      %select_n3A_138 = arith.constant 0 : i32
      %select_n3A_139 = arith.select %eq3A_137, %select_n3A_138, %select_n3A_135 : i32
      %add3A_140 = arith.constant 1 : i32
      %add3A_141 = arith.addi %select_n3A_110, %add3A_140 : i32
      %select_n3A_142 = arith.select %eq3A_137, %add3A_141, %select_n3A_110 : i32
      %eq3A_143 = arith.constant 29 : i32
      %eq3A_144 = arith.cmpi eq, %select_n3A_142, %eq3A_143 : i32
      %select_n3A_145 = arith.constant 0 : i32
      %select_n3A_146 = arith.select %eq3A_144, %select_n3A_145, %select_n3A_142 : i32
      %add3A_147 = arith.addi %select_n3A_146, %mul3A_6 : i32
      %add3A_148 = arith.constant 0 : i32
      %add3A_149 = arith.addi %select_n3A_139, %add3A_148 : i32
      %add3A_150 = arith.constant 1 : i32
      %add3A_151 = arith.addi %select_n3A_139, %add3A_150 : i32
      %select_n3A_152 = arith.constant true
      %select_n3A_153 = arith.select %select_n3A_152, %add3A_151, %select_n3A_139 : i32
      %eq3A_154 = arith.constant 2 : i32
      %eq3A_155 = arith.cmpi eq, %select_n3A_153, %eq3A_154 : i32
      %select_n3A_156 = arith.constant 0 : i32
      %select_n3A_157 = arith.select %eq3A_155, %select_n3A_156, %select_n3A_153 : i32
      %add3A_158 = arith.constant 1 : i32
      %add3A_159 = arith.addi %select_n3A_146, %add3A_158 : i32
      %select_n3A_160 = arith.select %eq3A_155, %add3A_159, %select_n3A_146 : i32
      %eq3A_161 = arith.constant 29 : i32
      %eq3A_162 = arith.cmpi eq, %select_n3A_160, %eq3A_161 : i32
      %select_n3A_163 = arith.constant 0 : i32
      %select_n3A_164 = arith.select %eq3A_162, %select_n3A_163, %select_n3A_160 : i32
      %add3A_165 = arith.addi %select_n3A_164, %mul3A_6 : i32
      %add3A_166 = arith.constant 0 : i32
      %add3A_167 = arith.addi %select_n3A_157, %add3A_166 : i32
      "tpu.trace_start"() <{level = 10 : i32, message = "ep_finalize"}> : () -> ()
      %rem3A_168 = arith.constant 2 : i32
      %rem3A_169 = arith.remui %scan3A_95#3, %rem3A_168 : i32
      %mul3A_170 = arith.constant 128 : i32
      %mul3A_171 = arith.muli %mul3A_170, %add3A_111 : i32
      %mul3A_172 = arith.constant 384 : i32
      %mul3A_173 = arith.muli %mul3A_172, %add3A_113 : i32
      %dma_wait3A = arith.constant 0 : i32
      %dma_wait3A_174 = arith.constant 0 : i32
      %dma_wait3A_175 = tpu.memref_slice %run_scoped3A_8[%rem3A_169, %dma_wait3A, %dma_wait3A_174] : memref<2x128x384xf32, #tpu.memory_space<vmem>> -> memref<1x128x384xf32, #tpu.memory_space<vmem>>
      %dma_wait3A_176 = tpu.memref_squeeze %dma_wait3A_175 : memref<1x128x384xf32, #tpu.memory_space<vmem>> -> memref<128x384xf32, #tpu.memory_space<vmem>>
      %dma_wait3A_177 = tpu.memref_slice %arg4[%mul3A_171, %mul3A_173] : memref<204800x768xf32, #tpu.memory_space<hbm>> -> memref<128x384xf32, #tpu.memory_space<hbm>>
      %dma_wait3A_178 = tpu.memref_slice %run_scoped3A_9[%rem3A_169] : memref<2x!tpu.dma_semaphore, #tpu.memory_space<semaphore_mem>> -> memref<1x!tpu.dma_semaphore, #tpu.memory_space<semaphore_mem>>
      %dma_wait3A_179 = tpu.memref_squeeze %dma_wait3A_178 : memref<1x!tpu.dma_semaphore, #tpu.memory_space<semaphore_mem>> -> memref<!tpu.dma_semaphore, #tpu.memory_space<semaphore_mem>>
      %dma_wait3A_180 = tpu.memref_slice %arg4[%mul3A_171, %mul3A_173] : memref<204800x768xf32, #tpu.memory_space<hbm>> -> memref<128x384xf32, #tpu.memory_space<hbm>>
      %dma_wait3A_181 = arith.constant 0 : i32
      %dma_wait3A_182 = arith.constant 0 : i32
      %dma_wait3A_183 = tpu.memref_slice %run_scoped3A_8[%rem3A_169, %dma_wait3A_181, %dma_wait3A_182] : memref<2x128x384xf32, #tpu.memory_space<vmem>> -> memref<1x128x384xf32, #tpu.memory_space<vmem>>
      %dma_wait3A_184 = tpu.memref_squeeze %dma_wait3A_183 : memref<1x128x384xf32, #tpu.memory_space<vmem>> -> memref<128x384xf32, #tpu.memory_space<vmem>>
      tpu.wait_dma2 semaphore(%dma_wait3A_179 : memref<!tpu.dma_semaphore, #tpu.memory_space<semaphore_mem>>) src(%dma_wait3A_184 : memref<128x384xf32, #tpu.memory_space<vmem>>) dst(%dma_wait3A_180 : memref<128x384xf32, #tpu.memory_space<hbm>>)
      "tpu.trace_stop"() : () -> ()
      tpu.yield
    }) : () -> ()
    return
  }
}

module attributes {stable_mosaic.version = 14 : i64} {
  func.func @body(%arg0: i32, %arg1: memref<2048x256xi8, #tpu.memory_space<vmem>>, %arg2: memref<128x768xf32, #tpu.memory_space<vmem>>, %arg3: memref<2048x768xf32, #tpu.memory_space<vmem>>, %arg4: memref<256x768xbf16, #tpu.memory_space<vmem>>) attributes {dimension_semantics = [#tpu.dimension_semantics<arbitrary>], iteration_bounds = array<i64: 100>, scalar_prefetch = 0 : i64, scratch_operands = 1 : i64, tpu.core_type = #tpu.core_type<tc>, window_params = [{transform_indices = @transform_0, window_bounds = array<i64: 2048, 256>}, {pipeline_mode = #tpu.pipeline_mode<synchronous>, transform_indices = @transform_1, window_bounds = array<i64: 128, 768>}, {transform_indices = @transform_2, window_bounds = array<i64: 2048, 768>}]} {
    %eq3A = arith.constant 0 : i32
    %eq3A_0 = arith.cmpi eq, %arg0, %eq3A : i32
    %convert_element_type3A = arith.extui %eq3A_0 : i1 to i32
    %cond3A = arith.constant 0 : i32
    %cond3A_1 = arith.cmpi ne, %convert_element_type3A, %cond3A : i32
    scf.if %cond3A_1 {
      %get3A_11 = arith.constant 0 : index
      %get3A_12 = arith.constant 0 : index
      %get3A_13 = vector.load %arg2[%get3A_11, %get3A_12] : memref<128x768xf32, #tpu.memory_space<vmem>>, vector<128x768xf32>
      %convert_element_type3A_14 = arith.truncf %get3A_13 : vector<128x768xf32> to vector<128x768xbf16>
      %swap3A_15 = arith.constant 0 : index
      %swap3A_16 = arith.constant 0 : index
      %swap3A_17 = vector.load %arg4[%swap3A_15, %swap3A_16] : memref<256x768xbf16, #tpu.memory_space<vmem>>, vector<128x768xbf16>
      tpu.vector_store %arg4[%swap3A_15, %swap3A_16], %convert_element_type3A_14 {strides = array<i32>} : memref<256x768xbf16, #tpu.memory_space<vmem>>, vector<128x768xbf16>,
      %convert_element_type3A_18 = arith.extf %convert_element_type3A_14 : vector<128x768xbf16> to vector<128x768xf32>
      %sub3A = arith.subf %get3A_13, %convert_element_type3A_18 : vector<128x768xf32>
      %convert_element_type3A_19 = arith.truncf %sub3A : vector<128x768xf32> to vector<128x768xbf16>
      %swap3A_20 = arith.constant 128 : index
      %swap3A_21 = arith.constant 0 : index
      %swap3A_22 = vector.load %arg4[%swap3A_20, %swap3A_21] : memref<256x768xbf16, #tpu.memory_space<vmem>>, vector<128x768xbf16>
      tpu.vector_store %arg4[%swap3A_20, %swap3A_21], %convert_element_type3A_19 {strides = array<i32>} : memref<256x768xbf16, #tpu.memory_space<vmem>>, vector<128x768xbf16>,
    } else {
    }
    %get3A = arith.constant 0 : index
    %get3A_2 = arith.constant 0 : index
    %get3A_3 = vector.load %arg1[%get3A, %get3A_2] : memref<2048x256xi8, #tpu.memory_space<vmem>>, vector<2048x256xi8>
    %convert_element_type3A_4 = arith.sitofp %get3A_3 : vector<2048x256xi8> to vector<2048x256xbf16>
    %get3A_5 = arith.constant 0 : index
    %get3A_6 = arith.constant 0 : index
    %get3A_7 = vector.load %arg4[%get3A_5, %get3A_6] : memref<256x768xbf16, #tpu.memory_space<vmem>>, vector<256x768xbf16>
    %dot_general3A = arith.constant dense<0.000000e+00> : vector<2048x768xf32>
    %dot_general3A_8 = tpu.matmul %convert_element_type3A_4, %get3A_7, %dot_general3A {dimension_numbers = #tpu.dot_dimension_numbers<[1], [0], [0], [1], [0, 0, 1, 1], [], []>, transpose_lhs_hint = false} : vector<2048x256xbf16>, vector<256x768xbf16>, vector<2048x768xf32> -> vector<2048x768xf32>
    %swap3A = arith.constant 0 : index
    %swap3A_9 = arith.constant 0 : index
    %swap3A_10 = vector.load %arg3[%swap3A, %swap3A_9] : memref<2048x768xf32, #tpu.memory_space<vmem>>, vector<2048x768xf32>
    tpu.vector_store %arg3[%swap3A, %swap3A_9], %dot_general3A_8 {strides = array<i32>} : memref<2048x768xf32, #tpu.memory_space<vmem>>, vector<2048x768xf32>,
    return
  }
  func.func @transform_0(%arg0: i32) -> (i32, i32) {
    %c0_i32 = arith.constant 0 : i32
    %c0_i32_0 = arith.constant 0 : i32
    return %arg0, %c0_i32 : i32, i32
  }
  func.func @transform_1(%arg0: i32) -> (i32, i32) {
    %c0_i32 = arith.constant 0 : i32
    %c0_i32_0 = arith.constant 0 : i32
    %c0_i32_1 = arith.constant 0 : i32
    return %c0_i32, %c0_i32_0 : i32, i32
  }
  func.func @transform_2(%arg0: i32) -> (i32, i32) {
    %c0_i32 = arith.constant 0 : i32
    %c0_i32_0 = arith.constant 0 : i32
    return %arg0, %c0_i32 : i32, i32
  }
}

module attributes {stable_mosaic.version = 14 : i64} {
  func.func @body(%arg0: i32, %arg1: memref<204800x768xf32, #tpu.memory_space<any>>, %arg2: memref<2048x512xi8, #tpu.memory_space<vmem>>, %arg3: memref<256x768xf32, #tpu.memory_space<vmem>>, %arg4: memref<2048x768xf32, #tpu.memory_space<vmem>>, %arg5: memref<512x768xbf16, #tpu.memory_space<vmem>>) attributes {dimension_semantics = [#tpu.dimension_semantics<arbitrary>], iteration_bounds = array<i64: 42>, scalar_prefetch = 0 : i64, scratch_operands = 1 : i64, tpu.core_type = #tpu.core_type<tc>, window_params = [{}, {transform_indices = @transform_1, window_bounds = array<i64: 2048, 512>}, {pipeline_mode = #tpu.pipeline_mode<synchronous>, transform_indices = @transform_2, window_bounds = array<i64: 256, 768>}, {transform_indices = @transform_3, window_bounds = array<i64: 2048, 768>}]} {
    %eq3A = arith.constant 0 : i32
    %eq3A_0 = arith.cmpi eq, %arg0, %eq3A : i32
    %convert_element_type3A = arith.extui %eq3A_0 : i1 to i32
    %cond3A = arith.constant 0 : i32
    %cond3A_1 = arith.cmpi ne, %convert_element_type3A, %cond3A : i32
    scf.if %cond3A_1 {
      %get3A_11 = arith.constant 0 : index
      %get3A_12 = arith.constant 0 : index
      %get3A_13 = vector.load %arg3[%get3A_11, %get3A_12] : memref<256x768xf32, #tpu.memory_space<vmem>>, vector<256x768xf32>
      %convert_element_type3A_14 = arith.truncf %get3A_13 : vector<256x768xf32> to vector<256x768xbf16>
      %swap3A_15 = arith.constant 0 : index
      %swap3A_16 = arith.constant 0 : index
      %swap3A_17 = vector.load %arg5[%swap3A_15, %swap3A_16] : memref<512x768xbf16, #tpu.memory_space<vmem>>, vector<256x768xbf16>
      tpu.vector_store %arg5[%swap3A_15, %swap3A_16], %convert_element_type3A_14 {strides = array<i32>} : memref<512x768xbf16, #tpu.memory_space<vmem>>, vector<256x768xbf16>,
      %convert_element_type3A_18 = arith.extf %convert_element_type3A_14 : vector<256x768xbf16> to vector<256x768xf32>
      %sub3A = arith.subf %get3A_13, %convert_element_type3A_18 : vector<256x768xf32>
      %convert_element_type3A_19 = arith.truncf %sub3A : vector<256x768xf32> to vector<256x768xbf16>
      %swap3A_20 = arith.constant 256 : index
      %swap3A_21 = arith.constant 0 : index
      %swap3A_22 = vector.load %arg5[%swap3A_20, %swap3A_21] : memref<512x768xbf16, #tpu.memory_space<vmem>>, vector<256x768xbf16>
      tpu.vector_store %arg5[%swap3A_20, %swap3A_21], %convert_element_type3A_19 {strides = array<i32>} : memref<512x768xbf16, #tpu.memory_space<vmem>>, vector<256x768xbf16>,
    } else {
    }
    %get3A = arith.constant 0 : index
    %get3A_2 = arith.constant 0 : index
    %get3A_3 = vector.load %arg2[%get3A, %get3A_2] : memref<2048x512xi8, #tpu.memory_space<vmem>>, vector<2048x512xi8>
    %convert_element_type3A_4 = arith.sitofp %get3A_3 : vector<2048x512xi8> to vector<2048x512xbf16>
    %get3A_5 = arith.constant 0 : index
    %get3A_6 = arith.constant 0 : index
    %get3A_7 = vector.load %arg5[%get3A_5, %get3A_6] : memref<512x768xbf16, #tpu.memory_space<vmem>>, vector<512x768xbf16>
    %dot_general3A = arith.constant dense<0.000000e+00> : vector<2048x768xf32>
    %dot_general3A_8 = tpu.matmul %convert_element_type3A_4, %get3A_7, %dot_general3A {dimension_numbers = #tpu.dot_dimension_numbers<[1], [0], [0], [1], [0, 0, 1, 1], [], []>, transpose_lhs_hint = false} : vector<2048x512xbf16>, vector<512x768xbf16>, vector<2048x768xf32> -> vector<2048x768xf32>
    %swap3A = arith.constant 0 : index
    %swap3A_9 = arith.constant 0 : index
    %swap3A_10 = vector.load %arg4[%swap3A, %swap3A_9] : memref<2048x768xf32, #tpu.memory_space<vmem>>, vector<2048x768xf32>
    tpu.vector_store %arg4[%swap3A, %swap3A_9], %dot_general3A_8 {strides = array<i32>} : memref<2048x768xf32, #tpu.memory_space<vmem>>, vector<2048x768xf32>,
    return
  }
  func.func @transform_1(%arg0: i32) -> (i32, i32) {
    %c0_i32 = arith.constant 0 : i32
    %c0_i32_0 = arith.constant 0 : i32
    return %arg0, %c0_i32 : i32, i32
  }
  func.func @transform_2(%arg0: i32) -> (i32, i32) {
    %c0_i32 = arith.constant 0 : i32
    %c0_i32_0 = arith.constant 0 : i32
    %c0_i32_1 = arith.constant 0 : i32
    return %c0_i32, %c0_i32_0 : i32, i32
  }
  func.func @transform_3(%arg0: i32) -> (i32, i32) {
    %add3A = arith.constant 58 : i32
    %add3A_0 = arith.addi %arg0, %add3A : i32
    %c0_i32 = arith.constant 0 : i32
    %c0_i32_1 = arith.constant 0 : i32
    return %add3A_0, %c0_i32 : i32, i32
  }
}

</mosaic_0001>

<sc_bundles>
// kernel: kernel.5.cloned.1.call-start
scs
__scs_entry_jumppad:
0x0: {  	(pc) =	sbr.rel $0x88, $3  }
0x1: {  	(tag) =	ssettag $0x0;
	lr =	simm.s32 $0x1  }
0x2: {  	[smem:$0x3F9D] =	sst lr;
	_ =	strace $0xD0000000  }
0x3: {  	_ = 	snop  }
0x4: {  	_ = 	snop  }
0x5: {  	_ = 	snop  }
0x6: {  	_ = 	snop  }
0x7: {  	_ = 	snop  }
__scs_overlays_trampoline_lowered:
0x8: {  	[smem:$0x3FAC] =	sst s0  }
0x9: {  	[smem:$0x3FAD] =	sst s1  }
0xa: {  	[smem:$0x3FAE] =	sst s2  }
0xb: {  	[smem:$0x3FAF] =	sst s3  }
0xc: {  	[smem:$0x3FB0] =	sst s4  }
0xd: {  	[smem:$0x3FB1] =	sst s5  }
0xe: {  	[smem:$0x3FB2] =	sst s6  }
0xf: {  	[smem:$0x3FB3] =	sst s7  }
0x10: {  	[smem:$0x3FB4] =	sst s8  }
0x11: {  	[smem:$0x3FB5] =	sst s9;
	s0 =	simm.s32 @!p0 $0x0  }
0x12: {  	s1 =	sld [smem:$0x3F9B];
	s0 =	simm.s32 @p0 $0x1  }
0x13: {  	[smem:$0x3FB6] =	sst s0;
	s0 =	simm.s32 @!p1 $0x0  }
0x14: {  	s2 =	sld [smem:$0x3F9A];
	s0 =	simm.s32 @p1 $0x1  }
0x15: {  	[smem:$0x3FB7] =	sst s0;
	s0 =	simm.s32 @!p2 $0x0  }
0x16: {  	s3 =	sld [smem:$0x3FDB];
	s0 =	simm.s32 @p2 $0x1  }
0x17: {  	s4 =	simm.s32 $0x1BF5;
	[smem:$0x3FB9] =	sst s0  }
0x18: {  	s0 =	sld [smem:$0x3F9C];
	_ =	swait.ge [sflag:s4], $0x0  }
0x19: {  	s7 =	sld [smem:$0x3F9D]  }
0x1a: {  	s8 =	sadd.s32 $0xFFFFE003, lr  }
0x1b: {  	s9 =	sadd.s32 $0xFFFFFEF7, lr;
	s5 =	simm.s32 $0xFFFFFFFF;
	p2 =	slt.u32 s8, $0xFFFFF086  }
0x1c: {  	p1 =	slt.u32 s9, $0xF7A;
	s5 =	simm.s32 @!p2 $0x0  }
0x1d: {  	s5 =	simm.s32 @p1 $0x1;
	p0 =	seq.s32 s7, s2  }
0x1e: {  	s7 =	smul.u32 @!p0 $0xF7A, s2;
	p2 =	seq.s32 @!p0 s5, $0x0  }
0x1f: {  	s9 =	smul.u32 $0xF7A, s1;
	s8 =	simm.s32 @!p0 $0x1BF5;
	p2 =	por !p2, p0  }
0x20: {  	[sflag:s8] =	ssyncset.s32 @!p0 $0xFFFFF086;
	s6 =	sadd.s32 @!p0 s3, s7;
	s7 =	simm.s32 @!p0 $0x108  }
0x21: {  	s3 =	sadd.s32 s3, s9;
	s6 =	sadd.s32 @!p0 $0x88, s6;
	s7 =	simm.s32 @p2 $0x1082  }
0x22: {  	[simem:s7], [sflag:s8] =	dma.local @!p0 [hbm:s6], $0xF7A  }
0x23: {  	s9 =	sor.u32 $0xD0000000, s2;
	s6 =	simm.s32 $0x108;
	_ =	swait.ge @!p0 [sflag:s8], $0x0  }
0x24: {  	s3 =	sadd.s32 $0x88, s3;
	s6 =	simm.s32 @!p1 $0x1082;
	[sflag:s4] =	ssyncset.s32 $0xFFFFF086  }
0x25: {  	[simem:s6], [sflag:s4] =	dma.local [hbm:s3], $0xF7A  }
0x26: {  	[smem:$0x3F9D] =	sst s1;
	(tag) =	ssettag s2;
	_ =	strace s9  }
0x27: {  	s1 =	sld [smem:$0x3FAD]  }
0x28: {  	s2 =	sld [smem:$0x3FAE]  }
0x29: {  	s4 =	sld [smem:$0x3FB0]  }
0x2a: {  	p0 =	seq.s32 s5, $0x0;
	s5 =	sld [smem:$0x3FB1]  }
0x2b: {  	s6 =	sld [smem:$0x3FB2]  }
0x2c: {  	s7 =	sld [smem:$0x3FB3]  }
0x2d: {  	s3 =	simm.s32 $0x108;
	s8 =	sld [smem:$0x3FB4]  }
0x2e: {  	s3 =	simm.s32 @!p0 $0x1082;
	s9 =	sld [smem:$0x3FB5]  }
0x2f: {  	lr =	sadd.s32 s0, s3;
	s0 =	sld [smem:$0x3FAC]  }
0x30: {  	s3 =	sld [smem:$0x3FAF]  }
0x31: {  	[smem:$0x3FB8] =	sst s10  }
0x32: {  	s10 =	sld [smem:$0x3FB6];
	_ =	sdelay $0x3  }
0x33: {  	p0 =	seq.s32 s10, $0x1;
	s10 =	sld [smem:$0x3FB8];
	_ =	sdelay $0x3  }
0x34: {  	[smem:$0x3FB8] =	sst s10  }
0x35: {  	s10 =	sld [smem:$0x3FB7];
	_ =	sdelay $0x3  }
0x36: {  	p1 =	seq.s32 s10, $0x1;
	s10 =	sld [smem:$0x3FB8];
	_ =	sdelay $0x3  }
0x37: {  	[smem:$0x3FB8] =	sst s10  }
0x38: {  	s10 =	sld [smem:$0x3FB9]  }
0x39: {  	_ = 	snop;
	(pc) =	sbr.ind lr, $3  }
0x3a: {  	_ = 	snop  }
0x3b: {  	_ = 	snop  }
0x3c: {  	p2 =	seq.s32 s10, $0x1;
	s10 =	sld [smem:$0x3FB8]  }
0x3d: {  	_ =	shalt  }
0x3e: {  	_ =	shalt  }
0x3f: {  	_ =	shalt  }
0x40: {  	_ =	shalt  }
0x41: {  	_ =	shalt  }
0x42: {  	_ =	shalt  }
0x43: {  	_ =	shalt  }
0x44: {  	_ =	shalt  }
0x45: {  	_ =	shalt  }
0x46: {  	_ =	shalt  }
0x47: {  	_ =	shalt  }
0x48: {  	_ =	shalt  }
0x49: {  	_ =	shalt  }
0x4a: {  	_ =	shalt  }
0x4b: {  	_ =	shalt  }
0x4c: {  	_ =	shalt  }
0x4d: {  	_ =	shalt  }
0x4e: {  	_ =	shalt  }
0x4f: {  	_ =	shalt  }
0x50: {  	_ =	shalt  }
0x51: {  	_ =	shalt  }
0x52: {  	_ =	shalt  }
0x53: {  	_ =	shalt  }
0x54: {  	_ =	shalt  }
0x55: {  	_ =	shalt  }
0x56: {  	_ =	shalt  }
0x57: {  	_ =	shalt  }
0x58: {  	_ =	shalt  }
0x59: {  	_ =	shalt  }
0x5a: {  	_ =	shalt  }
0x5b: {  	_ =	shalt  }
0x5c: {  	_ =	shalt  }
0x5d: {  	_ =	shalt  }
0x5e: {  	_ =	shalt  }
0x5f: {  	_ =	shalt  }
0x60: {  	_ =	shalt  }
0x61: {  	_ =	shalt  }
0x62: {  	_ =	shalt  }
0x63: {  	_ =	shalt  }
0x64: {  	_ =	shalt  }
0x65: {  	_ =	shalt  }
0x66: {  	_ =	shalt  }
0x67: {  	_ =	shalt  }
0x68: {  	_ =	shalt  }
0x69: {  	_ =	shalt  }
0x6a: {  	_ =	shalt  }
0x6b: {  	_ =	shalt  }
0x6c: {  	_ =	shalt  }
0x6d: {  	_ =	shalt  }
0x6e: {  	_ =	shalt  }
0x6f: {  	_ =	shalt  }
0x70: {  	_ =	shalt  }
0x71: {  	_ =	shalt  }
0x72: {  	_ =	shalt  }
0x73: {  	_ =	shalt  }
0x74: {  	_ =	shalt  }
0x75: {  	_ =	shalt  }
0x76: {  	_ =	shalt  }
0x77: {  	_ =	shalt  }
0x78: {  	_ =	shalt  }
0x79: {  	_ =	shalt  }
0x7a: {  	_ =	shalt  }
0x7b: {  	_ =	shalt  }
0x7c: {  	_ =	shalt  }
0x7d: {  	_ =	shalt  }
0x7e: {  	_ =	shalt  }
0x7f: {  	_ =	shalt  }
0x80: {  	_ =	shalt  }
0x81: {  	_ =	shalt  }
0x82: {  	_ =	shalt  }
0x83: {  	_ =	shalt  }
0x84: {  	_ =	shalt  }
0x85: {  	_ =	shalt  }
0x86: {  	_ =	shalt  }
0x87: {  	_ =	shalt  }
.Lfunc_end0:
.L_simem_size_0:
called_computation_lowered:
.L_overlay_start_0:
0x88: {  	s2 =	sld [smem:$0x3FD9]  }
0x89: {  	s3 =	sld [smem:$0x3FFE];
	_ =	sdelay $0x1  }
0x8a: {  	s1 =	srdreg.scid  }
0x8b: {  	s0 =	sand.u32 $0x1, s1  }
0x8c: {  	s14 =	sshll.u32 s0, $0xA;
	s2 =	sadd.s32 s3, s2  }
0x8d: {  	s2 =	sadd.s32 s2, s14  }
0x8e: {  	[smem:$0x3FC4] =	sst s2  }
0x8f: {  	_ = 	snop  }
0x90: {  	s2 =	sld [smem:$0x3FD0];
	_ =	sdelay $0x2  }
0x91: {  	s15 =	simm.s32 $0xA;
	s4 =	simm.s32 $0x10  }
0x92: {  	[smem:s4], [sflag:s15] =	dma.local [hbm:s2], $0x1  }
0x93: {  	_ =	swait.eq [sflag:s15], $0x1  }
0x94: {  	[sflag:s15] =	ssyncset.done $0x0  }
0x95: {  	[sflag:s15] =	ssyncadd.s32 $0xFFFFFFFF  }
0x96: {  	s16 =	sld [smem:$0x10];
	(tm) =	ssettm $0x1  }
0x97: {  	s17 =	sld [smem:$0x3FFB];
	_ =	sdelay $0x3  }
0x98: {  	_ =	strace s17  }
0x99: {  	s3 =	sld [smem:$0x3FFC];
	_ =	sdelay $0x3  }
0x9a: {  	_ =	strace s3  }
0x9b: {  	s3 =	sld [smem:$0x3FFD];
	_ =	sdelay $0x3  }
0x9c: {  	_ =	strace s3  }
0x9d: {  	_ =	strace $0x8FFFFFFF  }
0x9e: {  	s18 =	sld [smem:$0x3FDB];
	_ =	sdelay $0x1  }
0x9f: {  	s19 =	simm.s32 $_scs_section_size  }
0xa0: {  	s5 =	simm.s32 $_size__tile_overlayer_lowered;
	s6 =	simm.s32 $_tile_overlayer_lowered  }
0xa1: {  	s22 =	simm.s32 $0x1BFF;
	s21 =	sshll.u32 s6, $0x1;
	s3 =	sadd.s32 s19, s18  }
0xa2: {  	s7 =	simm.s32 $0x0;
	s20 =	sshll.u32 s5, $0x1;
	s5 =	sadd.s32 s21, s3  }
0xa3: {  	[timem:s7], [sflag:s22] =	dma.local [hbm:s5], s20  }
0xa4: {  	_ =	swait.ge [sflag:s22], s20  }
0xa5: {  	s4 =	ssub.s32 $0x0, s20;
	[sflag:s22] =	ssyncset.done $0x0  }
0xa6: {  	[sflag:s22] =	ssyncadd.s32 s4;
	_ =	sdelay $0x1  }
0xa7: {  	s23 =	simm.s32 $0x1B8B  }
0xa8: {  	_ =	swait.ge [sflag:s23], $0x1  }
0xa9: {  	[sflag:s23] =	ssyncset.done $0x0  }
0xaa: {  	s25 =	simm.s32 $0x1B8E;
	s24 =	sld [smem:$0x3FFE];
	[sflag:s23] =	ssyncadd.s32 $0xFFFFFFFF  }
0xab: {  	s26 =	simm.s32 $execute0_lowered;
	[smem:$0x3FD2] =	sst s25  }
0xac: {  	s5 =	sshll.u32 s26, $0x1;
	_ =	strace $0x80000046;
	[dreg:$0x1] =	wrdreg $0xFFFFFFFF  }
0xad: {  	s28 =	simm.s32 $_size_execute0_lowered;
	s3 =	sadd.s32 s3, s5;
	[dreg:$0x0] =	wrdreg $0x0  }
0xae: {  	s5 =	sshll.u32 s28, $0x1;
	[dreg:$0x2] =	wrdreg s3  }
0xaf: {  	[dreg:$0x3] =	wrdreg s5  }
0xb0: {  	[dreg:$0x4] =	wrdreg $0xC0  }
0xb1: {  	_ =	task [dreg:s7], $0x5FFFF  }
0xb2: {  	[dreg:$0x1] =	wrdreg $0xFFFFFFFF  }
0xb3: {  	[dreg:$0x0] =	wrdreg $0x60  }
0xb4: {  	[dreg:$0x2] =	wrdreg s24  }
0xb5: {  	[dreg:$0x3] =	wrdreg s16  }
0xb6: {  	[dreg:$0x4] =	wrdreg $0x9  }
0xb7: {  	_ =	task.clear_ibuf [dreg:s7], $0x5FFFF;
	_ =	strace $0x90000046  }
0xb8: {  	s29 =	simm.s32 $0x9;
	_ =	strace $0x8000004F  }
0xb9: {  	_ =	swait.ge [sflag:s29], $0x1  }
0xba: {  	[sflag:s29] =	ssyncadd.s32 $0xFFFFFFFF  }
0xbb: {  	_ =	strace $0x9000004F  }
0xbc: {  	_ =	sfence  }
0xbd: {  	s30 =	sld [smem:$0x0];
	_ =	sdelay $0x2  }
0xbe: {  	s31 =	sshll.u32 s1, $0xD;
	s1 =	sshrl.u32 s1, $0x2  }
0xbf: {  	s3 =	sand.u32 $0x4000, s31;
	s1 =	sadd.s32 s1, s30  }
0xc0: {  	s0 =	sor.u32 s3, s0;
	s1 =	sshll.u32 s1, $0x11  }
0xc1: {  	s0 =	sor.u32 s1, s0  }
0xc2: {  	s0 =	sadd.s32 $0x8F2B, s0  }
0xc3: {  	[sflag:s0] =	ssyncadd.remote.s32 $0x1  }
0xc4: {  	_ =	sfence.sel $0xFFFF  }
0xc5: {  	[dreg:$0x0] =	wrdreg $0xFFFFFFFF;
	(pc) =	sbr.abs _section_cstart, $3  }
0xc6: {  	[dreg:$0x1] =	wrdreg $0xFFFFFFFF  }
0xc7: {  	_ =	task.clear_ibuf [dreg:s7], $0x2FFFF;
	_ =	strace $0x9FFFFFFF  }
0xc8: {  	(tm) =	ssettm $0x7FFFFFFF  }
0xc9: {  	_ =	shalt  }
tec
execute0_lowered:
.L_overlay_start_1:
0x0: {  	(tag) =	ssettag $0x1  }
0x1: {  	s7 =	rddreg [dreg:$0x0]  }
0x2: {  	s0 =	rddreg [dreg:$0x1]  }
0x3: {  	s1 =	srdreg.scid;
	[dreg:$0x3] =	wrdreg s0  }
0x4: {  	s2 =	simm.s32 $0x0;
	s10 =	simm.s32 $0x4;
	s0 =	rddreg [dreg:$0x2]  }
0x5: {  	s11 =	simm.s32 $0x0;
	s3 =	sand.u32 $0x1, s1;
	[smem:$0x7FF] =	sst s2  }
0x6: {  	s1 =	stileid.u32;
	s4 =	sshll.u32 s3, $0x4;
	_ =	strace $0x80000047  }
0x7: {  	s5 =	ssub.s32 $0x2, s3;
	s3 =	sadd.s32 $0x8400, s7;
	s6 =	sor.u32 s1, s4  }
0x8: {  	v2 =	vlaneseq.u32;
	s8 =	sshrl.u32 s5, $0x1;
	s4 =	sadd.s32 $0x1000, s7;
	s9 =	smul.u32 $0x3A0, s6  }
0x9: {  	vm0 =	vmmov $0xffff;
	vm1 =	vmmov $0xff;
	v1 =	vshrl.u32 v2, $0x3;
	s7 =	sadd.s32 $0x8500, s7;
	s8 =	ssub.s32 s5, s8;
	s5 =	smul.u32 $0x1D, s6  }
0xa: {  	v0 =	vand.u32 $0x7, v2;
	v2 =	vor.u32 $0x8, v2;
	v1 =	vmul.u32 $0x8, v1;
	s8 =	smax.u32 s8, $0x1;
	s6 =	sadd.s32 s4, s9;
	s9 =	simm.s32 $0x5  }
.LBB2_1:
0xb: {  	_ =	strace $0x80000048;
	s12 =	simm.s32 $0x3A;
	s13 =	simm.s32 $0x0  }
0xc: {  	s15 =	simm.s32 $0x0;
	s14 =	simm.s32 $0x0;
	s16 =	simm.s32 $0x0  }
0xd: {  	[tilespmem:s2], [sflag:$0x1] =	stream.linear.gather [hbm4b:s6+s2], $0x80, $0x200038;
	[tilespmem:$0x18100] =	vst v63  }
0xe: {  	s17 =	simm.s32 $0x0;
	s18 =	simm.s32 $0x1;
	_ =	strace $0x90000048  }
.LBB2_2:
0xf: {  	s19 =	smov.u32 s13;
	s13 =	sadd.s32 $0x1, s13  }
0x10: {  	s21 =	simm.s32 $0x1;
	p0 =	seq.s32 s13, $0x2  }
0x11: {  	s21 =	simm.s32 @!p0 $0x0  }
0x12: {  	s20 =	smov.u32 s15;
	s15 =	sadd.s32 s21, s15  }
0x13: {  	p1 =	seq.s32 s15, $0x1D  }
0x14: {  	s13 =	simm.s32 @p0 $0x0;
	s15 =	simm.s32 @p1 $0x0  }
0x15: {  	p0 =	sne.s32 s19, s13;
	p1 =	sne.s32 s20, s15  }
0x16: {  	p6 =	sne.s32 s12, $0x1;
	p1 =	por p0, p1  }
0x17: {  	p0 =	por !p6, !p1  }
0x18: {  	p0 =	por !p0, !p0  }
0x19: {  	s21 =	sshrl.u32 @p0 s13, $0x1  }
0x1a: {  	s22 =	sadd.s32 @p0 s5, s15;
	s21 =	smul.u32 @p0 $0x3A000, s21  }
0x1b: {  	s23 =	sshll.u32 @p0 s13, $0x7;
	s22 =	sshll.u32 @p0 s22, $0x8  }
0x1c: {  	s21 =	sadd.s32 @p0 s21, s22;
	s22 =	sand.u32 @p0 $0x80, s23  }
0x1d: {  	_ =	strace @p0 $0x80000049;
	s21 =	sor.u32 @p0 s22, s21  }
0x1e: {  	s24 =	simm.s32 @p0 $0x0;
	s22 =	sand.u32 @p0 $0x1, s18;
	s21 =	sshrl.u32 @p0 s21, $0x3  }
0x1f: {  	s23 =	sshll.u32 @p0 s22, $0x7;
	s22 =	sadd.s32 @p0 $0x1, s22;
	s21 =	sadd.s32 @p0 s4, s21  }
0x20: {  	[tilespmem:s23], [sflag:s22] =	stream.linear.gather @p0 [hbm4b:s21+s24], $0x80, $0x200038;
	[tilespmem:$0x18100] =	vst v63  }
0x21: {  	s24 =	sand.u32 $0x1, s17;
	_ =	strace @p0 $0x90000049  }
0x22: {  	s21 =	sadd.s32 $0x1, s24;
	_ =	strace $0x8000004A  }
0x23: {  	_ =	swait.ge [sflag:s21], $0x80  }
0x24: {  	[sflag:s21] =	ssyncset.done $0x0  }
0x25: {  	[sflag:s21] =	ssyncadd.s32 $0xFFFFFF80  }
0x26: {  	s25 =	sshll.u32 s17, $0x7;
	_ =	strace $0x9000004A  }
0x27: {  	s24 =	sand.u32 $0x80, s25;
	_ =	strace $0x8000004B  }
0x28: {  	v3 =	vld [tilespmem:s24+$0x0];
	_ =	sdelay $0x4  }
0x29: {  	v4 =	vshrl.u32 v3, $0x3  }
0x2a: {  	v4 =	vmul.u32 $0x18, v4  }
0x2b: {  	v3 =	vand.u32 $0x7, v3  }
0x2c: {  	v3 =	vor.u32 v3, v4  }
0x2d: {  	v4 =	vperm.xlane v3, v0;
	_ =	sdelay $0x1  }
0x2e: {  	s21 =	sand.u32 $0x1, s16;
	v4 =	vadd.s32 v1, v4  }
0x2f: {  	s26 =	smul.u32 $0x30000, s21  }
0x30: {  	v3 =	vperm.xlane v3, v2  }
0x31: {  	s23 =	sshrl.u32 s26, $0x2  }
0x32: {  	s22 =	sor.u32 $0x100, s23;
	v3 =	vadd.s32 v1, v3  }
0x33: {  	[tilespmem:s22], [sflag:$0x5] =	stream.indirect_vreg.gather [hbm4b:s3+s2], $0x80, v4, vm0, $0x2000b8;
	[tilespmem:$0x18100] =	vst v63  }
0x34: {  	s25 =	sor.u32 $0x900, s23  }
0x35: {  	[tilespmem:s25], [sflag:$0x5] =	stream.indirect_vreg.gather [hbm4b:s7+s2], $0x80, v4, vm1, $0x2000b8;
	[tilespmem:$0x18100] =	vst v63  }
0x36: {  	s28 =	sor.u32 $0xD00, s23  }
0x37: {  	[tilespmem:s28], [sflag:$0x5] =	stream.indirect_vreg.gather [hbm4b:s3+s2], $0x80, v3, vm0, $0x2000b8;
	[tilespmem:$0x18100] =	vst v63  }
0x38: {  	s29 =	sor.u32 $0x1500, s23  }
0x39: {  	[tilespmem:s29], [sflag:$0x5] =	stream.indirect_vreg.gather [hbm4b:s7+s2], $0x80, v3, vm1, $0x2000b8;
	[tilespmem:$0x18100] =	vst v63  }
0x3a: {  	v3 =	vld [tilespmem:s24+$0x10];
	_ =	sdelay $0x4  }
0x3b: {  	v57 =	vshrl.u32 v3, $0x3  }
0x3c: {  	v4 =	vmul.u32 $0x18, v57  }
0x3d: {  	v3 =	vand.u32 $0x7, v3  }
0x3e: {  	v3 =	vor.u32 v3, v4  }
0x3f: {  	v4 =	vperm.xlane v3, v0;
	_ =	sdelay $0x1  }
0x40: {  	v4 =	vadd.s32 v1, v4;
	_ =	sdelay $0x1  }
0x41: {  	v3 =	vperm.xlane v3, v2;
	_ =	sdelay $0x1  }
0x42: {  	s30 =	sor.u32 $0x1900, s23;
	v3 =	vadd.s32 v1, v3  }
0x43: {  	[tilespmem:s30], [sflag:$0x5] =	stream.indirect_vreg.gather [hbm4b:s3+s2], $0x80, v4, vm0, $0x2000b8;
	[tilespmem:$0x18100] =	vst v63  }
0x44: {  	s31 =	sor.u32 $0x2100, s23  }
0x45: {  	[tilespmem:s31], [sflag:$0x5] =	stream.indirect_vreg.gather [hbm4b:s7+s2], $0x80, v4, vm1, $0x2000b8;
	[tilespmem:$0x18100] =	vst v63  }
0x46: {  	s26 =	sor.u32 $0x2500, s23  }
0x47: {  	[tilespmem:s26], [sflag:$0x5] =	stream.indirect_vreg.gather [hbm4b:s3+s2], $0x80, v3, vm0, $0x2000b8;
	[tilespmem:$0x18100] =	vst v63  }
0x48: {  	s28 =	sor.u32 $0x2D00, s23  }
0x49: {  	[tilespmem:s28], [sflag:$0x5] =	stream.indirect_vreg.gather [hbm4b:s7+s2], $0x80, v3, vm1, $0x2000b8;
	[tilespmem:$0x18100] =	vst v63  }
0x4a: {  	v3 =	vld [tilespmem:s24+$0x20];
	_ =	sdelay $0x4  }
0x4b: {  	v58 =	vshrl.u32 v3, $0x3  }
0x4c: {  	v4 =	vmul.u32 $0x18, v58  }
0x4d: {  	v3 =	vand.u32 $0x7, v3  }
0x4e: {  	v3 =	vor.u32 v3, v4  }
0x4f: {  	v4 =	vperm.xlane v3, v0;
	_ =	sdelay $0x1  }
0x50: {  	v4 =	vadd.s32 v1, v4;
	_ =	sdelay $0x1  }
0x51: {  	v3 =	vperm.xlane v3, v2;
	_ =	sdelay $0x1  }
0x52: {  	s29 =	sor.u32 $0x3100, s23;
	v3 =	vadd.s32 v1, v3  }
0x53: {  	[tilespmem:s29], [sflag:$0x5] =	stream.indirect_vreg.gather [hbm4b:s3+s2], $0x80, v4, vm0, $0x2000b8;
	[tilespmem:$0x18100] =	vst v63  }
0x54: {  	s30 =	sor.u32 $0x3900, s23  }
0x55: {  	[tilespmem:s30], [sflag:$0x5] =	stream.indirect_vreg.gather [hbm4b:s7+s2], $0x80, v4, vm1, $0x2000b8;
	[tilespmem:$0x18100] =	vst v63  }
0x56: {  	s31 =	sor.u32 $0x3D00, s23  }
0x57: {  	[tilespmem:s31], [sflag:$0x5] =	stream.indirect_vreg.gather [hbm4b:s3+s2], $0x80, v3, vm0, $0x2000b8;
	[tilespmem:$0x18100] =	vst v63  }
0x58: {  	s26 =	sadd.s32 $0x4500, s23  }
0x59: {  	[tilespmem:s26], [sflag:$0x5] =	stream.indirect_vreg.gather [hbm4b:s7+s2], $0x80, v3, vm1, $0x2000b8;
	[tilespmem:$0x18100] =	vst v63  }
0x5a: {  	v3 =	vld [tilespmem:s24+$0x30];
	_ =	sdelay $0x4  }
0x5b: {  	v59 =	vshrl.u32 v3, $0x3  }
0x5c: {  	v4 =	vmul.u32 $0x18, v59  }
0x5d: {  	v3 =	vand.u32 $0x7, v3  }
0x5e: {  	v3 =	vor.u32 v3, v4  }
0x5f: {  	v4 =	vperm.xlane v3, v0;
	_ =	sdelay $0x1  }
0x60: {  	v4 =	vadd.s32 v1, v4;
	_ =	sdelay $0x1  }
0x61: {  	v3 =	vperm.xlane v3, v2;
	_ =	sdelay $0x1  }
0x62: {  	s28 =	sadd.s32 $0x4900, s23;
	v3 =	vadd.s32 v1, v3  }
0x63: {  	[tilespmem:s28], [sflag:$0x5] =	stream.indirect_vreg.gather [hbm4b:s3+s2], $0x80, v4, vm0, $0x2000b8;
	[tilespmem:$0x18100] =	vst v63  }
0x64: {  	s29 =	sadd.s32 $0x5100, s23  }
0x65: {  	[tilespmem:s29], [sflag:$0x5] =	stream.indirect_vreg.gather [hbm4b:s7+s2], $0x80, v4, vm1, $0x2000b8;
	[tilespmem:$0x18100] =	vst v63  }
0x66: {  	s30 =	sadd.s32 $0x5500, s23  }
0x67: {  	[tilespmem:s30], [sflag:$0x5] =	stream.indirect_vreg.gather [hbm4b:s3+s2], $0x80, v3, vm0, $0x2000b8;
	[tilespmem:$0x18100] =	vst v63  }
0x68: {  	s31 =	sadd.s32 $0x5D00, s23  }
0x69: {  	[tilespmem:s31], [sflag:$0x5] =	stream.indirect_vreg.gather [hbm4b:s7+s2], $0x80, v3, vm1, $0x2000b8;
	[tilespmem:$0x18100] =	vst v63  }
0x6a: {  	v3 =	vld [tilespmem:s24+$0x40];
	_ =	sdelay $0x4  }
0x6b: {  	v60 =	vshrl.u32 v3, $0x3  }
0x6c: {  	v4 =	vmul.u32 $0x18, v60  }
0x6d: {  	v3 =	vand.u32 $0x7, v3  }
0x6e: {  	v3 =	vor.u32 v3, v4  }
0x6f: {  	v4 =	vperm.xlane v3, v0;
	_ =	sdelay $0x1  }
0x70: {  	v4 =	vadd.s32 v1, v4;
	_ =	sdelay $0x1  }
0x71: {  	v3 =	vperm.xlane v3, v2;
	_ =	sdelay $0x1  }
0x72: {  	s26 =	sadd.s32 $0x6100, s23;
	v3 =	vadd.s32 v1, v3  }
0x73: {  	[tilespmem:s26], [sflag:$0x5] =	stream.indirect_vreg.gather [hbm4b:s3+s2], $0x80, v4, vm0, $0x2000b8;
	[tilespmem:$0x18100] =	vst v63  }
0x74: {  	s28 =	sadd.s32 $0x6900, s23  }
0x75: {  	[tilespmem:s28], [sflag:$0x5] =	stream.indirect_vreg.gather [hbm4b:s7+s2], $0x80, v4, vm1, $0x2000b8;
	[tilespmem:$0x18100] =	vst v63  }
0x76: {  	s29 =	sadd.s32 $0x6D00, s23  }
0x77: {  	[tilespmem:s29], [sflag:$0x5] =	stream.indirect_vreg.gather [hbm4b:s3+s2], $0x80, v3, vm0, $0x2000b8;
	[tilespmem:$0x18100] =	vst v63  }
0x78: {  	s30 =	sadd.s32 $0x7500, s23  }
0x79: {  	[tilespmem:s30], [sflag:$0x5] =	stream.indirect_vreg.gather [hbm4b:s7+s2], $0x80, v3, vm1, $0x2000b8;
	[tilespmem:$0x18100] =	vst v63  }
0x7a: {  	v3 =	vld [tilespmem:s24+$0x50];
	_ =	sdelay $0x4  }
0x7b: {  	v61 =	vshrl.u32 v3, $0x3  }
0x7c: {  	v4 =	vmul.u32 $0x18, v61  }
0x7d: {  	v3 =	vand.u32 $0x7, v3  }
0x7e: {  	v3 =	vor.u32 v3, v4  }
0x7f: {  	v4 =	vperm.xlane v3, v0;
	_ =	sdelay $0x1  }
0x80: {  	v4 =	vadd.s32 v1, v4;
	_ =	sdelay $0x1  }
0x81: {  	v3 =	vperm.xlane v3, v2;
	_ =	sdelay $0x1  }
0x82: {  	s31 =	sadd.s32 $0x7900, s23;
	v3 =	vadd.s32 v1, v3  }
0x83: {  	[tilespmem:s31], [sflag:$0x5] =	stream.indirect_vreg.gather [hbm4b:s3+s2], $0x80, v4, vm0, $0x2000b8;
	[tilespmem:$0x18100] =	vst v63  }
0x84: {  	s26 =	sadd.s32 $0x8100, s23  }
0x85: {  	[tilespmem:s26], [sflag:$0x5] =	stream.indirect_vreg.gather [hbm4b:s7+s2], $0x80, v4, vm1, $0x2000b8;
	[tilespmem:$0x18100] =	vst v63  }
0x86: {  	s28 =	sadd.s32 $0x8500, s23  }
0x87: {  	[tilespmem:s28], [sflag:$0x5] =	stream.indirect_vreg.gather [hbm4b:s3+s2], $0x80, v3, vm0, $0x2000b8;
	[tilespmem:$0x18100] =	vst v63  }
0x88: {  	s29 =	sadd.s32 $0x8D00, s23  }
0x89: {  	[tilespmem:s29], [sflag:$0x5] =	stream.indirect_vreg.gather [hbm4b:s7+s2], $0x80, v3, vm1, $0x2000b8;
	[tilespmem:$0x18100] =	vst v63  }
0x8a: {  	v3 =	vld [tilespmem:s24+$0x60];
	_ =	sdelay $0x4  }
0x8b: {  	v62 =	vshrl.u32 v3, $0x3  }
0x8c: {  	v4 =	vmul.u32 $0x18, v62  }
0x8d: {  	v3 =	vand.u32 $0x7, v3  }
0x8e: {  	v3 =	vor.u32 v3, v4  }
0x8f: {  	v4 =	vperm.xlane v3, v0;
	_ =	sdelay $0x1  }
0x90: {  	v4 =	vadd.s32 v1, v4;
	_ =	sdelay $0x1  }
0x91: {  	v3 =	vperm.xlane v3, v2;
	_ =	sdelay $0x1  }
0x92: {  	s30 =	sadd.s32 $0x9100, s23;
	v3 =	vadd.s32 v1, v3  }
0x93: {  	[tilespmem:s30], [sflag:$0x5] =	stream.indirect_vreg.gather [hbm4b:s3+s2], $0x80, v4, vm0, $0x2000b8;
	[tilespmem:$0x18100] =	vst v63  }
0x94: {  	s31 =	sadd.s32 $0x9900, s23  }
0x95: {  	[tilespmem:s31], [sflag:$0x5] =	stream.indirect_vreg.gather [hbm4b:s7+s2], $0x80, v4, vm1, $0x2000b8;
	[tilespmem:$0x18100] =	vst v63  }
0x96: {  	s26 =	sadd.s32 $0x9D00, s23  }
0x97: {  	[tilespmem:s26], [sflag:$0x5] =	stream.indirect_vreg.gather [hbm4b:s3+s2], $0x80, v3, vm0, $0x2000b8;
	[tilespmem:$0x18100] =	vst v63  }
0x98: {  	s28 =	sadd.s32 $0xA500, s23  }
0x99: {  	[tilespmem:s28], [sflag:$0x5] =	stream.indirect_vreg.gather [hbm4b:s7+s2], $0x80, v3, vm1, $0x2000b8;
	[tilespmem:$0x18100] =	vst v63  }
0x9a: {  	v3 =	vld [tilespmem:s24+$0x70];
	_ =	sdelay $0x4  }
0x9b: {  	v63 =	vshrl.u32 v3, $0x3  }
0x9c: {  	v4 =	vmul.u32 $0x18, v63  }
0x9d: {  	v3 =	vand.u32 $0x7, v3  }
0x9e: {  	v3 =	vor.u32 v3, v4  }
0x9f: {  	v4 =	vperm.xlane v3, v0;
	_ =	sdelay $0x1  }
0xa0: {  	v4 =	vadd.s32 v1, v4;
	_ =	sdelay $0x1  }
0xa1: {  	v3 =	vperm.xlane v3, v2;
	_ =	sdelay $0x1  }
0xa2: {  	s29 =	sadd.s32 $0xA900, s23;
	v3 =	vadd.s32 v1, v3  }
0xa3: {  	[tilespmem:s29], [sflag:$0x5] =	stream.indirect_vreg.gather [hbm4b:s3+s2], $0x80, v4, vm0, $0x2000b8;
	[tilespmem:$0x18100] =	vst v63  }
0xa4: {  	p2 =	seq.s32 s12, $0x1;
	s30 =	sadd.s32 $0xB100, s23  }
0xa5: {  	[tilespmem:s30], [sflag:$0x5] =	stream.indirect_vreg.gather [hbm4b:s7+s2], $0x80, v4, vm1, $0x2000b8;
	[tilespmem:$0x18100] =	vst v63  }
0xa6: {  	s20 =	sadd.s32 s5, s20;
	p1 =	por p2, p1;
	s31 =	sadd.s32 $0xB500, s23  }
0xa7: {  	[tilespmem:s31], [sflag:$0x5] =	stream.indirect_vreg.gather [hbm4b:s3+s2], $0x80, v3, vm0, $0x2000b8;
	[tilespmem:$0x18100] =	vst v63  }
0xa8: {  	s20 =	smul.u32 @p1 $0x18000, s20;
	s23 =	sadd.s32 $0xBD00, s23  }
0xa9: {  	[tilespmem:s23], [sflag:$0x5] =	stream.indirect_vreg.gather [hbm4b:s7+s2], $0x80, v3, vm1, $0x2000b8;
	[tilespmem:$0x18100] =	vst v63  }
0xaa: {  	s19 =	smul.u32 @p1 $0xC00, s19;
	_ =	swait.ge [sflag:s9], $0xC000  }
0xab: {  	[sflag:s9] =	ssyncset.done $0x0  }
0xac: {  	s19 =	sadd.s32 @p1 s19, s20;
	[sflag:s9] =	ssyncadd.s32 $0xFFFF4000  }
0xad: {  	s19 =	sshrl.u32 @p1 s19, $0x3;
	_ =	strace $0x9000004B  }
0xae: {  	s20 =	sadd.s32 @p1 $0x3, s21;
	s24 =	simm.s32 $0x1;
	_ =	strace @p1 $0x8000004C  }
0xaf: {  	s21 =	simm.s32 @p1 $0xC00;
	s24 =	simm.s32 @!p0 $0x0;
	s23 =	rddreg [dreg:$0x3]  }
0xb0: {  	p0 =	seq.s32 s12, $0x3A;
	s19 =	sadd.s32 @p1 s23, s19;
	s23 =	simm.s32 @p1 $0x1800  }
0xb1: {  	[hbm4b:s19+s21] =	stream.strided.scatter @p1 [tilespmem:s22], [sflag:s20], $0xC000, s23, s21, $0x200038;
	[tilespmem:$0x18100] =	vst v63  }
0xb2: {  	s19 =	simm.s32 $0x1;
	s21 =	simm.s32 $0x1;
	_ =	strace @p1 $0x9000004C  }
0xb3: {  	s19 =	simm.s32 @!p1 $0x0;
	p1 =	sne.s32 s12, $0x3A;
	s12 =	sadd.s32 $0xFFFFFFFF, s12  }
0xb4: {  	s20 =	sand.u32 @!p0 $0x1, s14;
	s21 =	simm.s32 @!p1 $0x0;
	p1 =	sne.s32 s12, $0x0  }
.Ltmp0:
0xb5: {  	s20 =	sadd.s32 @!p0 $0x3, s20;
	_ =	strace @!p0 $0x8000004D;
	(pc) =	sbr.rel @p1 .LBB2_2-.Ltmp0, $4  }
0xb6: {  	_ =	swait.ge @!p0 [sflag:s20], $0xC000  }
0xb7: {  	[sflag:s20] =	ssyncset.done @!p0 $0x0  }
0xb8: {  	s18 =	sadd.s32 s24, s18;
	s16 =	sadd.s32 s19, s16;
	[sflag:s20] =	ssyncadd.s32 @!p0 $0xFFFF4000  }
0xb9: {  	s17 =	sadd.s32 s19, s17;
	s14 =	sadd.s32 s21, s14;
	_ =	strace @!p0 $0x9000004D  }
0xba: {  	s11 =	sadd.s32 $0x1, s11  }
0xbb: {  	p0 =	sne.s32 s11, s8  }
.Ltmp1:
0xbc: {  	_ =	strace $0x8000004E;
	(pc) =	sbr.rel @p0 .LBB2_1-.Ltmp1, $4  }
0xbd: {  	_ =	swait.ge [sflag:s10], $0xC000  }
0xbe: {  	[sflag:s10] =	ssyncset.done $0x0  }
0xbf: {  	[sflag:s10] =	ssyncadd.s32 $0xFFFF4000  }
0xc0: {  	_ =	strace $0x9000004E  }
0xc1: {  	_ =	sfence.sel $0x180000  }
0xc2: {  	[bflag:$0x0] =	sbarrier.arrive $0xFFFF  }
0xc3: {  	p0 =	sne.s32 s1, $0x0;
	_ =	strace $0x90000047  }
0xc4: {  	s0 =	sadd.s32 @!p0 $0x100000, s0;
	[bflag:$0x2] =	sbarrier.arrive $0xFFFF  }
0xc5: {  	[sflag:s0] =	ssyncadd.tile.s32 @!p0 $0x1;
	_ =	shalt  }
.Lfunc_end2:
_tile_overlayer_lowered:
.L_overlay_start_2:
0xc6: {  	(tag) =	ssettag $0x2  }
0xc7: {  	s0 =	rddreg [dreg:$0x0];
	s2 =	stileid.u32  }
0xc8: {  	s1 =	rddreg [dreg:$0x1];
	p0 =	sne.s32 s2, $0x0  }
0xc9: {  	s3 =	rddreg [dreg:$0x2];
	[bflag:$0x3] =	sbarrier.arrive $0xFFFF;
	s2 =	simm.s32 @!p0 $0x1C01  }
0xca: {  	[timem:s3], [sflag:s2] =	dma.local @!p0 [hbm:s0], s1  }
0xcb: {  	s0 =	simm.s32 @!p0 $0x1  }
0xcc: {  	_ =	swait.ge @!p0 [sflag:s0], s1  }
0xcd: {  	s1 =	ssub.s32 @!p0 $0x0, s1;
	[sflag:s0] =	ssyncset.done @!p0 $0x0  }
0xce: {  	[sflag:s0] =	ssyncadd.s32 @!p0 s1  }
0xcf: {  	[bflag:$0x3] =	sbarrier.arrive $0xFFFF  }
0xd0: {  	_ =	shalt  }

</sc_bundles>
